<compile_context>
chip_gen: v7x
topology: tpu7x:2x2x1
jax: 0.10.2.dev20260603
libtpu: 0.0.44.dev20260713+nightly
codegen_flags: <defaults>
</compile_context>

<pallas_src>
import functools

import jax
import jax.numpy as jnp
from jax import lax
from jax.experimental import pallas as pl
from jax.experimental.pallas import tpu as pltpu
from jax.experimental.pallas import tpu_sc as plsc

B = 4
S = 4096
HID = 1024
N = B * S
NC = 2
NS = 16
NW = NC * NS
T = N // NW
C = 32
NCHUNK = T // C
NBUF = 3


def _emb_body(ids_hbm, mask_hbm, table_hbm, out_hbm,
              idx_v, mask_v, buf0, buf1, buf2, g0, g1, g2, o0, o1, o2, msem):
    wid = lax.axis_index("s") * NC + lax.axis_index("c")
    base = wid * T

    bufs = (buf0, buf1, buf2)
    gsems = (g0, g1, g2)
    osems = (o0, o1, o2)

    pltpu.sync_copy(ids_hbm.at[pl.ds(base, T)], idx_v)
    pltpu.sync_copy(mask_hbm.at[pl.ds(base, T)], mask_v)
    mh = pltpu.async_copy(
        mask_v, out_hbm.at[pl.ds(base, T), pl.ds(HID, 1)], msem
    )

    def start_gather(k):
        b = k % NBUF
        return pltpu.async_copy(
            table_hbm.at[idx_v.at[pl.ds(k * C, C)]],
            bufs[b],
            gsems[b],
        )

    gh = {}
    oh = {}
    for j in range(min(NBUF, NCHUNK)):
        gh[j % NBUF] = start_gather(j)
    for k in range(NCHUNK):
        b = k % NBUF
        gh[b].wait()
        oh[b] = pltpu.async_copy(
            bufs[b],
            out_hbm.at[pl.ds(base + k * C, C), pl.ds(0, HID)],
            osems[b],
        )
        j = k - 1 + NBUF
        if 1 <= k and j < NCHUNK:
            bj = j % NBUF
            oh[bj].wait()
            gh[bj] = start_gather(j)
    for k in range(max(0, NCHUNK - NBUF), NCHUNK):
        oh[k % NBUF].wait()
    mh.wait()


_emb_call = functools.partial(
    pl.kernel,
    mesh=plsc.VectorSubcoreMesh(core_axis_name="c", subcore_axis_name="s"),
    out_type=jax.ShapeDtypeStruct((N, HID + 1), jnp.float32),
    compiler_params=pltpu.CompilerParams(use_tc_tiling_on_sc=False),
    scratch_types=[
        pltpu.VMEM((T,), jnp.int32),
        pltpu.VMEM((T, 1), jnp.float32),
        pltpu.VMEM((C, HID), jnp.float32),
        pltpu.VMEM((C, HID), jnp.float32),
        pltpu.VMEM((C, HID), jnp.float32),
        pltpu.SemaphoreType.DMA,
        pltpu.SemaphoreType.DMA,
        pltpu.SemaphoreType.DMA,
        pltpu.SemaphoreType.DMA,
        pltpu.SemaphoreType.DMA,
        pltpu.SemaphoreType.DMA,
        pltpu.SemaphoreType.DMA,
    ],
)(_emb_body)


@jax.jit
def kernel(input_ids, attention_mask, table):
    ids = input_ids.reshape(N).astype(jnp.int32)
    maskf = attention_mask.reshape(N, 1).astype(jnp.float32)
    out = _emb_call(ids, maskf, table)
    return out.reshape(B, S, HID + 1)

# --- scband reference (transcript-rebuilt; emitter-appended) ---
"""Pipeline reference for scband-l1-1194000908357 (READ-ONLY COPY).

The authoritative reference and input builder live on the scoring server;
editing this copy changes nothing except your own understanding.
"""

import jax, jax.numpy as jnp
import numpy as np

VOCAB = 100000
HID = 1024
B = 4
S = 4096
PAD = 0


def setup_inputs(seed: int = 0) -> dict:
    key = jax.random.key(seed)
    k1, k2 = jax.random.split(key)
    input_ids = jax.random.randint(k1, (B, S), 0, VOCAB)
    attention_mask = jnp.ones((B, S), dtype=input_ids.dtype)
    # learned embedding table (nn.Embedding weight), padding row zeroed like padding_idx
    table = jax.random.normal(k2, (VOCAB, HID), dtype=jnp.float32)
    table = table.at[PAD].set(0.0)
    return {"input_ids": input_ids, "attention_mask": attention_mask, "table": table}


def reference(input_ids, attention_mask, table):
    # embed_tokens(input_ids): gather rows of the embedding table
    inputs_embeds = jnp.take(table, input_ids, axis=0)  # [B, S, HID]
    hidden_states = inputs_embeds
    # torch.cat([hidden_states, attention_mask.to(hidden_states)[:, :, None]], 2)
    mask_f = attention_mask.astype(hidden_states.dtype)[:, :, None]  # [B, S, 1]
    packed = jnp.concatenate([hidden_states, mask_f], axis=2)  # [B, S, HID+1]
    return packed

if __name__ == "__main__":
    import jax
    _d = setup_inputs()
    print(jax.jit(kernel)(*tuple(_d.values())))

</pallas_src>

<mosaic_0001>
#map = affine_map<(d0, d1) -> (0)>
#map1 = affine_map<(d0, d1) -> (0, 0)>
module attributes {stable_mosaic.version = 14 : i64} {
  func.func @_emb_body(%arg0: i32, %arg1: i32, %arg2: memref<16384xi32, #tpu.memory_space<hbm>>, %arg3: memref<16384x1xf32, #tpu.memory_space<hbm>>, %arg4: memref<100000x1024xf32, #tpu.memory_space<hbm>>, %arg5: memref<16384x1025xf32, #tpu.memory_space<hbm>>, %arg6: memref<512xi32, #tpu.memory_space<vmem>>, %arg7: memref<512x1xf32, #tpu.memory_space<vmem>>, %arg8: memref<32x1024xf32, #tpu.memory_space<vmem>>, %arg9: memref<32x1024xf32, #tpu.memory_space<vmem>>, %arg10: memref<32x1024xf32, #tpu.memory_space<vmem>>, %arg11: memref<!tpu.dma_semaphore, #tpu.memory_space<semaphore_mem>>, %arg12: memref<!tpu.dma_semaphore, #tpu.memory_space<semaphore_mem>>, %arg13: memref<!tpu.dma_semaphore, #tpu.memory_space<semaphore_mem>>, %arg14: memref<!tpu.dma_semaphore, #tpu.memory_space<semaphore_mem>>, %arg15: memref<!tpu.dma_semaphore, #tpu.memory_space<semaphore_mem>>, %arg16: memref<!tpu.dma_semaphore, #tpu.memory_space<semaphore_mem>>, %arg17: memref<!tpu.dma_semaphore, #tpu.memory_space<semaphore_mem>>) attributes {dimension_semantics = [#tpu.dimension_semantics<core_parallel>, #tpu.dimension_semantics<subcore_parallel>], iteration_bounds = array<i64: 2, 16>, scalar_prefetch = 0 : i64, scratch_operands = 12 : i64, tpu.core_type = #tpu.core_type<sc_vector_subcore>, window_params = [{transform_indices = #map}, {transform_indices = #map1}, {transform_indices = #map1}, {transform_indices = #map1}]} {
    %mul3A = arith.constant 2 : i32
    %mul3A_0 = arith.muli %arg1, %mul3A : i32
    %add3A = arith.addi %mul3A_0, %arg0 : i32
    %mul3A_1 = arith.constant 512 : i32
    %mul3A_2 = arith.muli %add3A, %mul3A_1 : i32
    "tpu.region"() ({
      %run_scoped3A = tpu.sem_alloc : memref<!tpu.dma_semaphore, #tpu.memory_space<semaphore_mem>>
      %dma_start3A_329 = tpu.memref_slice %arg2[%mul3A_2] : memref<16384xi32, #tpu.memory_space<hbm>> -> memref<512xi32, #tpu.memory_space<hbm>>
      %dma_start3A_330 = tpu.memref_slice %arg2[%mul3A_2] : memref<16384xi32, #tpu.memory_space<hbm>> -> memref<512xi32, #tpu.memory_space<hbm>>
      tpu.enqueue_dma source(%dma_start3A_330 : memref<512xi32, #tpu.memory_space<hbm>>) target(%arg6 : memref<512xi32, #tpu.memory_space<vmem>>) target_semaphore(%run_scoped3A : memref<!tpu.dma_semaphore, #tpu.memory_space<semaphore_mem>>)
      %dma_wait3A_331 = tpu.memref_slice %arg2[%mul3A_2] : memref<16384xi32, #tpu.memory_space<hbm>> -> memref<512xi32, #tpu.memory_space<hbm>>
      %dma_wait3A_332 = tpu.memref_slice %arg2[%mul3A_2] : memref<16384xi32, #tpu.memory_space<hbm>> -> memref<512xi32, #tpu.memory_space<hbm>>
      tpu.wait_dma2 semaphore(%run_scoped3A : memref<!tpu.dma_semaphore, #tpu.memory_space<semaphore_mem>>) src(%dma_wait3A_332 : memref<512xi32, #tpu.memory_space<hbm>>) dst(%arg6 : memref<512xi32, #tpu.memory_space<vmem>>)
      tpu.yield
    }) : () -> ()
    "tpu.region"() ({
      %run_scoped3A = tpu.sem_alloc : memref<!tpu.dma_semaphore, #tpu.memory_space<semaphore_mem>>
      %dma_start3A_329 = arith.constant 0 : i32
      %dma_start3A_330 = tpu.memref_slice %arg3[%mul3A_2, %dma_start3A_329] : memref<16384x1xf32, #tpu.memory_space<hbm>> -> memref<512x1xf32, #tpu.memory_space<hbm>>
      %dma_start3A_331 = arith.constant 0 : i32
      %dma_start3A_332 = tpu.memref_slice %arg3[%mul3A_2, %dma_start3A_331] : memref<16384x1xf32, #tpu.memory_space<hbm>> -> memref<512x1xf32, #tpu.memory_space<hbm>>
      tpu.enqueue_dma source(%dma_start3A_332 : memref<512x1xf32, #tpu.memory_space<hbm>>) target(%arg7 : memref<512x1xf32, #tpu.memory_space<vmem>>) target_semaphore(%run_scoped3A : memref<!tpu.dma_semaphore, #tpu.memory_space<semaphore_mem>>)
      %dma_wait3A_333 = arith.constant 0 : i32
      %dma_wait3A_334 = tpu.memref_slice %arg3[%mul3A_2, %dma_wait3A_333] : memref<16384x1xf32, #tpu.memory_space<hbm>> -> memref<512x1xf32, #tpu.memory_space<hbm>>
      %dma_wait3A_335 = arith.constant 0 : i32
      %dma_wait3A_336 = tpu.memref_slice %arg3[%mul3A_2, %dma_wait3A_335] : memref<16384x1xf32, #tpu.memory_space<hbm>> -> memref<512x1xf32, #tpu.memory_space<hbm>>
      tpu.wait_dma2 semaphore(%run_scoped3A : memref<!tpu.dma_semaphore, #tpu.memory_space<semaphore_mem>>) src(%dma_wait3A_336 : memref<512x1xf32, #tpu.memory_space<hbm>>) dst(%arg7 : memref<512x1xf32, #tpu.memory_space<vmem>>)
      tpu.yield
    }) : () -> ()
    %dma_start3A = arith.constant 1024 : i32
    %dma_start3A_3 = tpu.memref_slice %arg5[%mul3A_2, %dma_start3A] : memref<16384x1025xf32, #tpu.memory_space<hbm>> -> memref<512x1xf32, #tpu.memory_space<hbm>>
    %dma_start3A_4 = arith.constant 1024 : i32
    %dma_start3A_5 = tpu.memref_slice %arg5[%mul3A_2, %dma_start3A_4] : memref<16384x1025xf32, #tpu.memory_space<hbm>> -> memref<512x1xf32, #tpu.memory_space<hbm>>
    tpu.enqueue_dma source(%arg7 : memref<512x1xf32, #tpu.memory_space<vmem>>) target(%dma_start3A_5 : memref<512x1xf32, #tpu.memory_space<hbm>>) target_semaphore(%arg17 : memref<!tpu.dma_semaphore, #tpu.memory_space<semaphore_mem>>)
    %dma_start3A_6 = arith.constant 0 : i32
    %dma_start3A_7 = tpu.memref_slice %arg6[%dma_start3A_6] : memref<512xi32, #tpu.memory_space<vmem>> -> memref<32xi32, #tpu.memory_space<vmem>>
    %dma_start3A_8 = arith.constant 0 : i32
    %dma_start3A_9 = arith.constant 0 : i32
    %dma_start3A_10 = tpu.memref_slice %arg4[%dma_start3A_8, %dma_start3A_9] : memref<100000x1024xf32, #tpu.memory_space<hbm>> -> memref<100000x1024xf32, #tpu.memory_space<hbm>>
    tpu.enqueue_indirect_dma source(%dma_start3A_10 : memref<100000x1024xf32, #tpu.memory_space<hbm>>) target(%arg8 : memref<32x1024xf32, #tpu.memory_space<vmem>>) offsets(%dma_start3A_7 : memref<32xi32, #tpu.memory_space<vmem>>) semaphore(%arg11 : memref<!tpu.dma_semaphore, #tpu.memory_space<semaphore_mem>>)
    %dma_start3A_11 = arith.constant 32 : i32
    %dma_start3A_12 = tpu.memref_slice %arg6[%dma_start3A_11] : memref<512xi32, #tpu.memory_space<vmem>> -> memref<32xi32, #tpu.memory_space<vmem>>
    %dma_start3A_13 = arith.constant 0 : i32
    %dma_start3A_14 = arith.constant 0 : i32
    %dma_start3A_15 = tpu.memref_slice %arg4[%dma_start3A_13, %dma_start3A_14] : memref<100000x1024xf32, #tpu.memory_space<hbm>> -> memref<100000x1024xf32, #tpu.memory_space<hbm>>
    tpu.enqueue_indirect_dma source(%dma_start3A_15 : memref<100000x1024xf32, #tpu.memory_space<hbm>>) target(%arg9 : memref<32x1024xf32, #tpu.memory_space<vmem>>) offsets(%dma_start3A_12 : memref<32xi32, #tpu.memory_space<vmem>>) semaphore(%arg12 : memref<!tpu.dma_semaphore, #tpu.memory_space<semaphore_mem>>)
    %dma_start3A_16 = arith.constant 64 : i32
    %dma_start3A_17 = tpu.memref_slice %arg6[%dma_start3A_16] : memref<512xi32, #tpu.memory_space<vmem>> -> memref<32xi32, #tpu.memory_space<vmem>>
    %dma_start3A_18 = arith.constant 0 : i32
    %dma_start3A_19 = arith.constant 0 : i32
    %dma_start3A_20 = tpu.memref_slice %arg4[%dma_start3A_18, %dma_start3A_19] : memref<100000x1024xf32, #tpu.memory_space<hbm>> -> memref<100000x1024xf32, #tpu.memory_space<hbm>>
    tpu.enqueue_indirect_dma source(%dma_start3A_20 : memref<100000x1024xf32, #tpu.memory_space<hbm>>) target(%arg10 : memref<32x1024xf32, #tpu.memory_space<vmem>>) offsets(%dma_start3A_17 : memref<32xi32, #tpu.memory_space<vmem>>) semaphore(%arg13 : memref<!tpu.dma_semaphore, #tpu.memory_space<semaphore_mem>>)
    %dma_wait3A = arith.constant 0 : i32
    %dma_wait3A_21 = tpu.memref_slice %arg6[%dma_wait3A] : memref<512xi32, #tpu.memory_space<vmem>> -> memref<32xi32, #tpu.memory_space<vmem>>
    %dma_wait3A_22 = arith.constant 0 : i32
    %dma_wait3A_23 = arith.constant 0 : i32
    %dma_wait3A_24 = tpu.memref_slice %arg4[%dma_wait3A_22, %dma_wait3A_23] : memref<100000x1024xf32, #tpu.memory_space<hbm>> -> memref<100000x1024xf32, #tpu.memory_space<hbm>>
    tpu.wait_indirect_dma semaphore(%arg11 : memref<!tpu.dma_semaphore, #tpu.memory_space<semaphore_mem>>) src(%dma_wait3A_24 : memref<100000x1024xf32, #tpu.memory_space<hbm>>) dst(%arg8 : memref<32x1024xf32, #tpu.memory_space<vmem>>)
    %add3A_25 = arith.constant 0 : i32
    %add3A_26 = arith.addi %mul3A_2, %add3A_25 : i32
    %dma_start3A_27 = arith.constant 0 : i32
    %dma_start3A_28 = tpu.memref_slice %arg5[%add3A_26, %dma_start3A_27] : memref<16384x1025xf32, #tpu.memory_space<hbm>> -> memref<32x1024xf32, #tpu.memory_space<hbm>>
    %dma_start3A_29 = arith.constant 0 : i32
    %dma_start3A_30 = tpu.memref_slice %arg5[%add3A_26, %dma_start3A_29] : memref<16384x1025xf32, #tpu.memory_space<hbm>> -> memref<32x1024xf32, #tpu.memory_space<hbm>>
    tpu.enqueue_dma source(%arg8 : memref<32x1024xf32, #tpu.memory_space<vmem>>) target(%dma_start3A_30 : memref<32x1024xf32, #tpu.memory_space<hbm>>) target_semaphore(%arg14 : memref<!tpu.dma_semaphore, #tpu.memory_space<semaphore_mem>>)
    %dma_wait3A_31 = arith.constant 32 : i32
    %dma_wait3A_32 = tpu.memref_slice %arg6[%dma_wait3A_31] : memref<512xi32, #tpu.memory_space<vmem>> -> memref<32xi32, #tpu.memory_space<vmem>>
    %dma_wait3A_33 = arith.constant 0 : i32
    %dma_wait3A_34 = arith.constant 0 : i32
    %dma_wait3A_35 = tpu.memref_slice %arg4[%dma_wait3A_33, %dma_wait3A_34] : memref<100000x1024xf32, #tpu.memory_space<hbm>> -> memref<100000x1024xf32, #tpu.memory_space<hbm>>
    tpu.wait_indirect_dma semaphore(%arg12 : memref<!tpu.dma_semaphore, #tpu.memory_space<semaphore_mem>>) src(%dma_wait3A_35 : memref<100000x1024xf32, #tpu.memory_space<hbm>>) dst(%arg9 : memref<32x1024xf32, #tpu.memory_space<vmem>>)
    %add3A_36 = arith.constant 32 : i32
    %add3A_37 = arith.addi %mul3A_2, %add3A_36 : i32
    %dma_start3A_38 = arith.constant 0 : i32
    %dma_start3A_39 = tpu.memref_slice %arg5[%add3A_37, %dma_start3A_38] : memref<16384x1025xf32, #tpu.memory_space<hbm>> -> memref<32x1024xf32, #tpu.memory_space<hbm>>
    %dma_start3A_40 = arith.constant 0 : i32
    %dma_start3A_41 = tpu.memref_slice %arg5[%add3A_37, %dma_start3A_40] : memref<16384x1025xf32, #tpu.memory_space<hbm>> -> memref<32x1024xf32, #tpu.memory_space<hbm>>
    tpu.enqueue_dma source(%arg9 : memref<32x1024xf32, #tpu.memory_space<vmem>>) target(%dma_start3A_41 : memref<32x1024xf32, #tpu.memory_space<hbm>>) target_semaphore(%arg15 : memref<!tpu.dma_semaphore, #tpu.memory_space<semaphore_mem>>)
    %dma_wait3A_42 = arith.constant 0 : i32
    %dma_wait3A_43 = tpu.memref_slice %arg5[%add3A_26, %dma_wait3A_42] : memref<16384x1025xf32, #tpu.memory_space<hbm>> -> memref<32x1024xf32, #tpu.memory_space<hbm>>
    %dma_wait3A_44 = arith.constant 0 : i32
    %dma_wait3A_45 = tpu.memref_slice %arg5[%add3A_26, %dma_wait3A_44] : memref<16384x1025xf32, #tpu.memory_space<hbm>> -> memref<32x1024xf32, #tpu.memory_space<hbm>>
    tpu.wait_dma2 semaphore(%arg14 : memref<!tpu.dma_semaphore, #tpu.memory_space<semaphore_mem>>) src(%arg8 : memref<32x1024xf32, #tpu.memory_space<vmem>>) dst(%dma_wait3A_45 : memref<32x1024xf32, #tpu.memory_space<hbm>>)
    %dma_start3A_46 = arith.constant 96 : i32
    %dma_start3A_47 = tpu.memref_slice %arg6[%dma_start3A_46] : memref<512xi32, #tpu.memory_space<vmem>> -> memref<32xi32, #tpu.memory_space<vmem>>
    %dma_start3A_48 = arith.constant 0 : i32
    %dma_start3A_49 = arith.constant 0 : i32
    %dma_start3A_50 = tpu.memref_slice %arg4[%dma_start3A_48, %dma_start3A_49] : memref<100000x1024xf32, #tpu.memory_space<hbm>> -> memref<100000x1024xf32, #tpu.memory_space<hbm>>
    tpu.enqueue_indirect_dma source(%dma_start3A_50 : memref<100000x1024xf32, #tpu.memory_space<hbm>>) target(%arg8 : memref<32x1024xf32, #tpu.memory_space<vmem>>) offsets(%dma_start3A_47 : memref<32xi32, #tpu.memory_space<vmem>>) semaphore(%arg11 : memref<!tpu.dma_semaphore, #tpu.memory_space<semaphore_mem>>)
    %dma_wait3A_51 = arith.constant 64 : i32
    %dma_wait3A_52 = tpu.memref_slice %arg6[%dma_wait3A_51] : memref<512xi32, #tpu.memory_space<vmem>> -> memref<32xi32, #tpu.memory_space<vmem>>
    %dma_wait3A_53 = arith.constant 0 : i32
    %dma_wait3A_54 = arith.constant 0 : i32
    %dma_wait3A_55 = tpu.memref_slice %arg4[%dma_wait3A_53, %dma_wait3A_54] : memref<100000x1024xf32, #tpu.memory_space<hbm>> -> memref<100000x1024xf32, #tpu.memory_space<hbm>>
    tpu.wait_indirect_dma semaphore(%arg13 : memref<!tpu.dma_semaphore, #tpu.memory_space<semaphore_mem>>) src(%dma_wait3A_55 : memref<100000x1024xf32, #tpu.memory_space<hbm>>) dst(%arg10 : memref<32x1024xf32, #tpu.memory_space<vmem>>)
    %add3A_56 = arith.constant 64 : i32
    %add3A_57 = arith.addi %mul3A_2, %add3A_56 : i32
    %dma_start3A_58 = arith.constant 0 : i32
    %dma_start3A_59 = tpu.memref_slice %arg5[%add3A_57, %dma_start3A_58] : memref<16384x1025xf32, #tpu.memory_space<hbm>> -> memref<32x1024xf32, #tpu.memory_space<hbm>>
    %dma_start3A_60 = arith.constant 0 : i32
    %dma_start3A_61 = tpu.memref_slice %arg5[%add3A_57, %dma_start3A_60] : memref<16384x1025xf32, #tpu.memory_space<hbm>> -> memref<32x1024xf32, #tpu.memory_space<hbm>>
    tpu.enqueue_dma source(%arg10 : memref<32x1024xf32, #tpu.memory_space<vmem>>) target(%dma_start3A_61 : memref<32x1024xf32, #tpu.memory_space<hbm>>) target_semaphore(%arg16 : memref<!tpu.dma_semaphore, #tpu.memory_space<semaphore_mem>>)
    %dma_wait3A_62 = arith.constant 0 : i32
    %dma_wait3A_63 = tpu.memref_slice %arg5[%add3A_37, %dma_wait3A_62] : memref<16384x1025xf32, #tpu.memory_space<hbm>> -> memref<32x1024xf32, #tpu.memory_space<hbm>>
    %dma_wait3A_64 = arith.constant 0 : i32
    %dma_wait3A_65 = tpu.memref_slice %arg5[%add3A_37, %dma_wait3A_64] : memref<16384x1025xf32, #tpu.memory_space<hbm>> -> memref<32x1024xf32, #tpu.memory_space<hbm>>
    tpu.wait_dma2 semaphore(%arg15 : memref<!tpu.dma_semaphore, #tpu.memory_space<semaphore_mem>>) src(%arg9 : memref<32x1024xf32, #tpu.memory_space<vmem>>) dst(%dma_wait3A_65 : memref<32x1024xf32, #tpu.memory_space<hbm>>)
    %dma_start3A_66 = arith.constant 128 : i32
    %dma_start3A_67 = tpu.memref_slice %arg6[%dma_start3A_66] : memref<512xi32, #tpu.memory_space<vmem>> -> memref<32xi32, #tpu.memory_space<vmem>>
    %dma_start3A_68 = arith.constant 0 : i32
    %dma_start3A_69 = arith.constant 0 : i32
    %dma_start3A_70 = tpu.memref_slice %arg4[%dma_start3A_68, %dma_start3A_69] : memref<100000x1024xf32, #tpu.memory_space<hbm>> -> memref<100000x1024xf32, #tpu.memory_space<hbm>>
    tpu.enqueue_indirect_dma source(%dma_start3A_70 : memref<100000x1024xf32, #tpu.memory_space<hbm>>) target(%arg9 : memref<32x1024xf32, #tpu.memory_space<vmem>>) offsets(%dma_start3A_67 : memref<32xi32, #tpu.memory_space<vmem>>) semaphore(%arg12 : memref<!tpu.dma_semaphore, #tpu.memory_space<semaphore_mem>>)
    %dma_wait3A_71 = arith.constant 96 : i32
    %dma_wait3A_72 = tpu.memref_slice %arg6[%dma_wait3A_71] : memref<512xi32, #tpu.memory_space<vmem>> -> memref<32xi32, #tpu.memory_space<vmem>>
    %dma_wait3A_73 = arith.constant 0 : i32
    %dma_wait3A_74 = arith.constant 0 : i32
    %dma_wait3A_75 = tpu.memref_slice %arg4[%dma_wait3A_73, %dma_wait3A_74] : memref<100000x1024xf32, #tpu.memory_space<hbm>> -> memref<100000x1024xf32, #tpu.memory_space<hbm>>
    tpu.wait_indirect_dma semaphore(%arg11 : memref<!tpu.dma_semaphore, #tpu.memory_space<semaphore_mem>>) src(%dma_wait3A_75 : memref<100000x1024xf32, #tpu.memory_space<hbm>>) dst(%arg8 : memref<32x1024xf32, #tpu.memory_space<vmem>>)
    %add3A_76 = arith.constant 96 : i32
    %add3A_77 = arith.addi %mul3A_2, %add3A_76 : i32
    %dma_start3A_78 = arith.constant 0 : i32
    %dma_start3A_79 = tpu.memref_slice %arg5[%add3A_77, %dma_start3A_78] : memref<16384x1025xf32, #tpu.memory_space<hbm>> -> memref<32x1024xf32, #tpu.memory_space<hbm>>
    %dma_start3A_80 = arith.constant 0 : i32
    %dma_start3A_81 = tpu.memref_slice %arg5[%add3A_77, %dma_start3A_80] : memref<16384x1025xf32, #tpu.memory_space<hbm>> -> memref<32x1024xf32, #tpu.memory_space<hbm>>
    tpu.enqueue_dma source(%arg8 : memref<32x1024xf32, #tpu.memory_space<vmem>>) target(%dma_start3A_81 : memref<32x1024xf32, #tpu.memory_space<hbm>>) target_semaphore(%arg14 : memref<!tpu.dma_semaphore, #tpu.memory_space<semaphore_mem>>)
    %dma_wait3A_82 = arith.constant 0 : i32
    %dma_wait3A_83 = tpu.memref_slice %arg5[%add3A_57, %dma_wait3A_82] : memref<16384x1025xf32, #tpu.memory_space<hbm>> -> memref<32x1024xf32, #tpu.memory_space<hbm>>
    %dma_wait3A_84 = arith.constant 0 : i32
    %dma_wait3A_85 = tpu.memref_slice %arg5[%add3A_57, %dma_wait3A_84] : memref<16384x1025xf32, #tpu.memory_space<hbm>> -> memref<32x1024xf32, #tpu.memory_space<hbm>>
    tpu.wait_dma2 semaphore(%arg16 : memref<!tpu.dma_semaphore, #tpu.memory_space<semaphore_mem>>) src(%arg10 : memref<32x1024xf32, #tpu.memory_space<vmem>>) dst(%dma_wait3A_85 : memref<32x1024xf32, #tpu.memory_space<hbm>>)
    %dma_start3A_86 = arith.constant 160 : i32
    %dma_start3A_87 = tpu.memref_slice %arg6[%dma_start3A_86] : memref<512xi32, #tpu.memory_space<vmem>> -> memref<32xi32, #tpu.memory_space<vmem>>
    %dma_start3A_88 = arith.constant 0 : i32
    %dma_start3A_89 = arith.constant 0 : i32
    %dma_start3A_90 = tpu.memref_slice %arg4[%dma_start3A_88, %dma_start3A_89] : memref<100000x1024xf32, #tpu.memory_space<hbm>> -> memref<100000x1024xf32, #tpu.memory_space<hbm>>
    tpu.enqueue_indirect_dma source(%dma_start3A_90 : memref<100000x1024xf32, #tpu.memory_space<hbm>>) target(%arg10 : memref<32x1024xf32, #tpu.memory_space<vmem>>) offsets(%dma_start3A_87 : memref<32xi32, #tpu.memory_space<vmem>>) semaphore(%arg13 : memref<!tpu.dma_semaphore, #tpu.memory_space<semaphore_mem>>)
    %dma_wait3A_91 = arith.constant 128 : i32
    %dma_wait3A_92 = tpu.memref_slice %arg6[%dma_wait3A_91] : memref<512xi32, #tpu.memory_space<vmem>> -> memref<32xi32, #tpu.memory_space<vmem>>
    %dma_wait3A_93 = arith.constant 0 : i32
    %dma_wait3A_94 = arith.constant 0 : i32
    %dma_wait3A_95 = tpu.memref_slice %arg4[%dma_wait3A_93, %dma_wait3A_94] : memref<100000x1024xf32, #tpu.memory_space<hbm>> -> memref<100000x1024xf32, #tpu.memory_space<hbm>>
    tpu.wait_indirect_dma semaphore(%arg12 : memref<!tpu.dma_semaphore, #tpu.memory_space<semaphore_mem>>) src(%dma_wait3A_95 : memref<100000x1024xf32, #tpu.memory_space<hbm>>) dst(%arg9 : memref<32x1024xf32, #tpu.memory_space<vmem>>)
    %add3A_96 = arith.constant 128 : i32
    %add3A_97 = arith.addi %mul3A_2, %add3A_96 : i32
    %dma_start3A_98 = arith.constant 0 : i32
    %dma_start3A_99 = tpu.memref_slice %arg5[%add3A_97, %dma_start3A_98] : memref<16384x1025xf32, #tpu.memory_space<hbm>> -> memref<32x1024xf32, #tpu.memory_space<hbm>>
    %dma_start3A_100 = arith.constant 0 : i32
    %dma_start3A_101 = tpu.memref_slice %arg5[%add3A_97, %dma_start3A_100] : memref<16384x1025xf32, #tpu.memory_space<hbm>> -> memref<32x1024xf32, #tpu.memory_space<hbm>>
    tpu.enqueue_dma source(%arg9 : memref<32x1024xf32, #tpu.memory_space<vmem>>) target(%dma_start3A_101 : memref<32x1024xf32, #tpu.memory_space<hbm>>) target_semaphore(%arg15 : memref<!tpu.dma_semaphore, #tpu.memory_space<semaphore_mem>>)
    %dma_wait3A_102 = arith.constant 0 : i32
    %dma_wait3A_103 = tpu.memref_slice %arg5[%add3A_77, %dma_wait3A_102] : memref<16384x1025xf32, #tpu.memory_space<hbm>> -> memref<32x1024xf32, #tpu.memory_space<hbm>>
    %dma_wait3A_104 = arith.constant 0 : i32
    %dma_wait3A_105 = tpu.memref_slice %arg5[%add3A_77, %dma_wait3A_104] : memref<16384x1025xf32, #tpu.memory_space<hbm>> -> memref<32x1024xf32, #tpu.memory_space<hbm>>
    tpu.wait_dma2 semaphore(%arg14 : memref<!tpu.dma_semaphore, #tpu.memory_space<semaphore_mem>>) src(%arg8 : memref<32x1024xf32, #tpu.memory_space<vmem>>) dst(%dma_wait3A_105 : memref<32x1024xf32, #tpu.memory_space<hbm>>)
    %dma_start3A_106 = arith.constant 192 : i32
    %dma_start3A_107 = tpu.memref_slice %arg6[%dma_start3A_106] : memref<512xi32, #tpu.memory_space<vmem>> -> memref<32xi32, #tpu.memory_space<vmem>>
    %dma_start3A_108 = arith.constant 0 : i32
    %dma_start3A_109 = arith.constant 0 : i32
    %dma_start3A_110 = tpu.memref_slice %arg4[%dma_start3A_108, %dma_start3A_109] : memref<100000x1024xf32, #tpu.memory_space<hbm>> -> memref<100000x1024xf32, #tpu.memory_space<hbm>>
    tpu.enqueue_indirect_dma source(%dma_start3A_110 : memref<100000x1024xf32, #tpu.memory_space<hbm>>) target(%arg8 : memref<32x1024xf32, #tpu.memory_space<vmem>>) offsets(%dma_start3A_107 : memref<32xi32, #tpu.memory_space<vmem>>) semaphore(%arg11 : memref<!tpu.dma_semaphore, #tpu.memory_space<semaphore_mem>>)
    %dma_wait3A_111 = arith.constant 160 : i32
    %dma_wait3A_112 = tpu.memref_slice %arg6[%dma_wait3A_111] : memref<512xi32, #tpu.memory_space<vmem>> -> memref<32xi32, #tpu.memory_space<vmem>>
    %dma_wait3A_113 = arith.constant 0 : i32
    %dma_wait3A_114 = arith.constant 0 : i32
    %dma_wait3A_115 = tpu.memref_slice %arg4[%dma_wait3A_113, %dma_wait3A_114] : memref<100000x1024xf32, #tpu.memory_space<hbm>> -> memref<100000x1024xf32, #tpu.memory_space<hbm>>
    tpu.wait_indirect_dma semaphore(%arg13 : memref<!tpu.dma_semaphore, #tpu.memory_space<semaphore_mem>>) src(%dma_wait3A_115 : memref<100000x1024xf32, #tpu.memory_space<hbm>>) dst(%arg10 : memref<32x1024xf32, #tpu.memory_space<vmem>>)
    %add3A_116 = arith.constant 160 : i32
    %add3A_117 = arith.addi %mul3A_2, %add3A_116 : i32
    %dma_start3A_118 = arith.constant 0 : i32
    %dma_start3A_119 = tpu.memref_slice %arg5[%add3A_117, %dma_start3A_118] : memref<16384x1025xf32, #tpu.memory_space<hbm>> -> memref<32x1024xf32, #tpu.memory_space<hbm>>
    %dma_start3A_120 = arith.constant 0 : i32
    %dma_start3A_121 = tpu.memref_slice %arg5[%add3A_117, %dma_start3A_120] : memref<16384x1025xf32, #tpu.memory_space<hbm>> -> memref<32x1024xf32, #tpu.memory_space<hbm>>
    tpu.enqueue_dma source(%arg10 : memref<32x1024xf32, #tpu.memory_space<vmem>>) target(%dma_start3A_121 : memref<32x1024xf32, #tpu.memory_space<hbm>>) target_semaphore(%arg16 : memref<!tpu.dma_semaphore, #tpu.memory_space<semaphore_mem>>)
    %dma_wait3A_122 = arith.constant 0 : i32
    %dma_wait3A_123 = tpu.memref_slice %arg5[%add3A_97, %dma_wait3A_122] : memref<16384x1025xf32, #tpu.memory_space<hbm>> -> memref<32x1024xf32, #tpu.memory_space<hbm>>
    %dma_wait3A_124 = arith.constant 0 : i32
    %dma_wait3A_125 = tpu.memref_slice %arg5[%add3A_97, %dma_wait3A_124] : memref<16384x1025xf32, #tpu.memory_space<hbm>> -> memref<32x1024xf32, #tpu.memory_space<hbm>>
    tpu.wait_dma2 semaphore(%arg15 : memref<!tpu.dma_semaphore, #tpu.memory_space<semaphore_mem>>) src(%arg9 : memref<32x1024xf32, #tpu.memory_space<vmem>>) dst(%dma_wait3A_125 : memref<32x1024xf32, #tpu.memory_space<hbm>>)
    %dma_start3A_126 = arith.constant 224 : i32
    %dma_start3A_127 = tpu.memref_slice %arg6[%dma_start3A_126] : memref<512xi32, #tpu.memory_space<vmem>> -> memref<32xi32, #tpu.memory_space<vmem>>
    %dma_start3A_128 = arith.constant 0 : i32
    %dma_start3A_129 = arith.constant 0 : i32
    %dma_start3A_130 = tpu.memref_slice %arg4[%dma_start3A_128, %dma_start3A_129] : memref<100000x1024xf32, #tpu.memory_space<hbm>> -> memref<100000x1024xf32, #tpu.memory_space<hbm>>
    tpu.enqueue_indirect_dma source(%dma_start3A_130 : memref<100000x1024xf32, #tpu.memory_space<hbm>>) target(%arg9 : memref<32x1024xf32, #tpu.memory_space<vmem>>) offsets(%dma_start3A_127 : memref<32xi32, #tpu.memory_space<vmem>>) semaphore(%arg12 : memref<!tpu.dma_semaphore, #tpu.memory_space<semaphore_mem>>)
    %dma_wait3A_131 = arith.constant 192 : i32
    %dma_wait3A_132 = tpu.memref_slice %arg6[%dma_wait3A_131] : memref<512xi32, #tpu.memory_space<vmem>> -> memref<32xi32, #tpu.memory_space<vmem>>
    %dma_wait3A_133 = arith.constant 0 : i32
    %dma_wait3A_134 = arith.constant 0 : i32
    %dma_wait3A_135 = tpu.memref_slice %arg4[%dma_wait3A_133, %dma_wait3A_134] : memref<100000x1024xf32, #tpu.memory_space<hbm>> -> memref<100000x1024xf32, #tpu.memory_space<hbm>>
    tpu.wait_indirect_dma semaphore(%arg11 : memref<!tpu.dma_semaphore, #tpu.memory_space<semaphore_mem>>) src(%dma_wait3A_135 : memref<100000x1024xf32, #tpu.memory_space<hbm>>) dst(%arg8 : memref<32x1024xf32, #tpu.memory_space<vmem>>)
    %add3A_136 = arith.constant 192 : i32
    %add3A_137 = arith.addi %mul3A_2, %add3A_136 : i32
    %dma_start3A_138 = arith.constant 0 : i32
    %dma_start3A_139 = tpu.memref_slice %arg5[%add3A_137, %dma_start3A_138] : memref<16384x1025xf32, #tpu.memory_space<hbm>> -> memref<32x1024xf32, #tpu.memory_space<hbm>>
    %dma_start3A_140 = arith.constant 0 : i32
    %dma_start3A_141 = tpu.memref_slice %arg5[%add3A_137, %dma_start3A_140] : memref<16384x1025xf32, #tpu.memory_space<hbm>> -> memref<32x1024xf32, #tpu.memory_space<hbm>>
    tpu.enqueue_dma source(%arg8 : memref<32x1024xf32, #tpu.memory_space<vmem>>) target(%dma_start3A_141 : memref<32x1024xf32, #tpu.memory_space<hbm>>) target_semaphore(%arg14 : memref<!tpu.dma_semaphore, #tpu.memory_space<semaphore_mem>>)
    %dma_wait3A_142 = arith.constant 0 : i32
    %dma_wait3A_143 = tpu.memref_slice %arg5[%add3A_117, %dma_wait3A_142] : memref<16384x1025xf32, #tpu.memory_space<hbm>> -> memref<32x1024xf32, #tpu.memory_space<hbm>>
    %dma_wait3A_144 = arith.constant 0 : i32
    %dma_wait3A_145 = tpu.memref_slice %arg5[%add3A_117, %dma_wait3A_144] : memref<16384x1025xf32, #tpu.memory_space<hbm>> -> memref<32x1024xf32, #tpu.memory_space<hbm>>
    tpu.wait_dma2 semaphore(%arg16 : memref<!tpu.dma_semaphore, #tpu.memory_space<semaphore_mem>>) src(%arg10 : memref<32x1024xf32, #tpu.memory_space<vmem>>) dst(%dma_wait3A_145 : memref<32x1024xf32, #tpu.memory_space<hbm>>)
    %dma_start3A_146 = arith.constant 256 : i32
    %dma_start3A_147 = tpu.memref_slice %arg6[%dma_start3A_146] : memref<512xi32, #tpu.memory_space<vmem>> -> memref<32xi32, #tpu.memory_space<vmem>>
    %dma_start3A_148 = arith.constant 0 : i32
    %dma_start3A_149 = arith.constant 0 : i32
    %dma_start3A_150 = tpu.memref_slice %arg4[%dma_start3A_148, %dma_start3A_149] : memref<100000x1024xf32, #tpu.memory_space<hbm>> -> memref<100000x1024xf32, #tpu.memory_space<hbm>>
    tpu.enqueue_indirect_dma source(%dma_start3A_150 : memref<100000x1024xf32, #tpu.memory_space<hbm>>) target(%arg10 : memref<32x1024xf32, #tpu.memory_space<vmem>>) offsets(%dma_start3A_147 : memref<32xi32, #tpu.memory_space<vmem>>) semaphore(%arg13 : memref<!tpu.dma_semaphore, #tpu.memory_space<semaphore_mem>>)
    %dma_wait3A_151 = arith.constant 224 : i32
    %dma_wait3A_152 = tpu.memref_slice %arg6[%dma_wait3A_151] : memref<512xi32, #tpu.memory_space<vmem>> -> memref<32xi32, #tpu.memory_space<vmem>>
    %dma_wait3A_153 = arith.constant 0 : i32
    %dma_wait3A_154 = arith.constant 0 : i32
    %dma_wait3A_155 = tpu.memref_slice %arg4[%dma_wait3A_153, %dma_wait3A_154] : memref<100000x1024xf32, #tpu.memory_space<hbm>> -> memref<100000x1024xf32, #tpu.memory_space<hbm>>
    tpu.wait_indirect_dma semaphore(%arg12 : memref<!tpu.dma_semaphore, #tpu.memory_space<semaphore_mem>>) src(%dma_wait3A_155 : memref<100000x1024xf32, #tpu.memory_space<hbm>>) dst(%arg9 : memref<32x1024xf32, #tpu.memory_space<vmem>>)
    %add3A_156 = arith.constant 224 : i32
    %add3A_157 = arith.addi %mul3A_2, %add3A_156 : i32
    %dma_start3A_158 = arith.constant 0 : i32
    %dma_start3A_159 = tpu.memref_slice %arg5[%add3A_157, %dma_start3A_158] : memref<16384x1025xf32, #tpu.memory_space<hbm>> -> memref<32x1024xf32, #tpu.memory_space<hbm>>
    %dma_start3A_160 = arith.constant 0 : i32
    %dma_start3A_161 = tpu.memref_slice %arg5[%add3A_157, %dma_start3A_160] : memref<16384x1025xf32, #tpu.memory_space<hbm>> -> memref<32x1024xf32, #tpu.memory_space<hbm>>
    tpu.enqueue_dma source(%arg9 : memref<32x1024xf32, #tpu.memory_space<vmem>>) target(%dma_start3A_161 : memref<32x1024xf32, #tpu.memory_space<hbm>>) target_semaphore(%arg15 : memref<!tpu.dma_semaphore, #tpu.memory_space<semaphore_mem>>)
    %dma_wait3A_162 = arith.constant 0 : i32
    %dma_wait3A_163 = tpu.memref_slice %arg5[%add3A_137, %dma_wait3A_162] : memref<16384x1025xf32, #tpu.memory_space<hbm>> -> memref<32x1024xf32, #tpu.memory_space<hbm>>
    %dma_wait3A_164 = arith.constant 0 : i32
    %dma_wait3A_165 = tpu.memref_slice %arg5[%add3A_137, %dma_wait3A_164] : memref<16384x1025xf32, #tpu.memory_space<hbm>> -> memref<32x1024xf32, #tpu.memory_space<hbm>>
    tpu.wait_dma2 semaphore(%arg14 : memref<!tpu.dma_semaphore, #tpu.memory_space<semaphore_mem>>) src(%arg8 : memref<32x1024xf32, #tpu.memory_space<vmem>>) dst(%dma_wait3A_165 : memref<32x1024xf32, #tpu.memory_space<hbm>>)
    %dma_start3A_166 = arith.constant 288 : i32
    %dma_start3A_167 = tpu.memref_slice %arg6[%dma_start3A_166] : memref<512xi32, #tpu.memory_space<vmem>> -> memref<32xi32, #tpu.memory_space<vmem>>
    %dma_start3A_168 = arith.constant 0 : i32
    %dma_start3A_169 = arith.constant 0 : i32
    %dma_start3A_170 = tpu.memref_slice %arg4[%dma_start3A_168, %dma_start3A_169] : memref<100000x1024xf32, #tpu.memory_space<hbm>> -> memref<100000x1024xf32, #tpu.memory_space<hbm>>
    tpu.enqueue_indirect_dma source(%dma_start3A_170 : memref<100000x1024xf32, #tpu.memory_space<hbm>>) target(%arg8 : memref<32x1024xf32, #tpu.memory_space<vmem>>) offsets(%dma_start3A_167 : memref<32xi32, #tpu.memory_space<vmem>>) semaphore(%arg11 : memref<!tpu.dma_semaphore, #tpu.memory_space<semaphore_mem>>)
    %dma_wait3A_171 = arith.constant 256 : i32
    %dma_wait3A_172 = tpu.memref_slice %arg6[%dma_wait3A_171] : memref<512xi32, #tpu.memory_space<vmem>> -> memref<32xi32, #tpu.memory_space<vmem>>
    %dma_wait3A_173 = arith.constant 0 : i32
    %dma_wait3A_174 = arith.constant 0 : i32
    %dma_wait3A_175 = tpu.memref_slice %arg4[%dma_wait3A_173, %dma_wait3A_174] : memref<100000x1024xf32, #tpu.memory_space<hbm>> -> memref<100000x1024xf32, #tpu.memory_space<hbm>>
    tpu.wait_indirect_dma semaphore(%arg13 : memref<!tpu.dma_semaphore, #tpu.memory_space<semaphore_mem>>) src(%dma_wait3A_175 : memref<100000x1024xf32, #tpu.memory_space<hbm>>) dst(%arg10 : memref<32x1024xf32, #tpu.memory_space<vmem>>)
    %add3A_176 = arith.constant 256 : i32
    %add3A_177 = arith.addi %mul3A_2, %add3A_176 : i32
    %dma_start3A_178 = arith.constant 0 : i32
    %dma_start3A_179 = tpu.memref_slice %arg5[%add3A_177, %dma_start3A_178] : memref<16384x1025xf32, #tpu.memory_space<hbm>> -> memref<32x1024xf32, #tpu.memory_space<hbm>>
    %dma_start3A_180 = arith.constant 0 : i32
    %dma_start3A_181 = tpu.memref_slice %arg5[%add3A_177, %dma_start3A_180] : memref<16384x1025xf32, #tpu.memory_space<hbm>> -> memref<32x1024xf32, #tpu.memory_space<hbm>>
    tpu.enqueue_dma source(%arg10 : memref<32x1024xf32, #tpu.memory_space<vmem>>) target(%dma_start3A_181 : memref<32x1024xf32, #tpu.memory_space<hbm>>) target_semaphore(%arg16 : memref<!tpu.dma_semaphore, #tpu.memory_space<semaphore_mem>>)
    %dma_wait3A_182 = arith.constant 0 : i32
    %dma_wait3A_183 = tpu.memref_slice %arg5[%add3A_157, %dma_wait3A_182] : memref<16384x1025xf32, #tpu.memory_space<hbm>> -> memref<32x1024xf32, #tpu.memory_space<hbm>>
    %dma_wait3A_184 = arith.constant 0 : i32
    %dma_wait3A_185 = tpu.memref_slice %arg5[%add3A_157, %dma_wait3A_184] : memref<16384x1025xf32, #tpu.memory_space<hbm>> -> memref<32x1024xf32, #tpu.memory_space<hbm>>
    tpu.wait_dma2 semaphore(%arg15 : memref<!tpu.dma_semaphore, #tpu.memory_space<semaphore_mem>>) src(%arg9 : memref<32x1024xf32, #tpu.memory_space<vmem>>) dst(%dma_wait3A_185 : memref<32x1024xf32, #tpu.memory_space<hbm>>)
    %dma_start3A_186 = arith.constant 320 : i32
    %dma_start3A_187 = tpu.memref_slice %arg6[%dma_start3A_186] : memref<512xi32, #tpu.memory_space<vmem>> -> memref<32xi32, #tpu.memory_space<vmem>>
    %dma_start3A_188 = arith.constant 0 : i32
    %dma_start3A_189 = arith.constant 0 : i32
    %dma_start3A_190 = tpu.memref_slice %arg4[%dma_start3A_188, %dma_start3A_189] : memref<100000x1024xf32, #tpu.memory_space<hbm>> -> memref<100000x1024xf32, #tpu.memory_space<hbm>>
    tpu.enqueue_indirect_dma source(%dma_start3A_190 : memref<100000x1024xf32, #tpu.memory_space<hbm>>) target(%arg9 : memref<32x1024xf32, #tpu.memory_space<vmem>>) offsets(%dma_start3A_187 : memref<32xi32, #tpu.memory_space<vmem>>) semaphore(%arg12 : memref<!tpu.dma_semaphore, #tpu.memory_space<semaphore_mem>>)
    %dma_wait3A_191 = arith.constant 288 : i32
    %dma_wait3A_192 = tpu.memref_slice %arg6[%dma_wait3A_191] : memref<512xi32, #tpu.memory_space<vmem>> -> memref<32xi32, #tpu.memory_space<vmem>>
    %dma_wait3A_193 = arith.constant 0 : i32
    %dma_wait3A_194 = arith.constant 0 : i32
    %dma_wait3A_195 = tpu.memref_slice %arg4[%dma_wait3A_193, %dma_wait3A_194] : memref<100000x1024xf32, #tpu.memory_space<hbm>> -> memref<100000x1024xf32, #tpu.memory_space<hbm>>
    tpu.wait_indirect_dma semaphore(%arg11 : memref<!tpu.dma_semaphore, #tpu.memory_space<semaphore_mem>>) src(%dma_wait3A_195 : memref<100000x1024xf32, #tpu.memory_space<hbm>>) dst(%arg8 : memref<32x1024xf32, #tpu.memory_space<vmem>>)
    %add3A_196 = arith.constant 288 : i32
    %add3A_197 = arith.addi %mul3A_2, %add3A_196 : i32
    %dma_start3A_198 = arith.constant 0 : i32
    %dma_start3A_199 = tpu.memref_slice %arg5[%add3A_197, %dma_start3A_198] : memref<16384x1025xf32, #tpu.memory_space<hbm>> -> memref<32x1024xf32, #tpu.memory_space<hbm>>
    %dma_start3A_200 = arith.constant 0 : i32
    %dma_start3A_201 = tpu.memref_slice %arg5[%add3A_197, %dma_start3A_200] : memref<16384x1025xf32, #tpu.memory_space<hbm>> -> memref<32x1024xf32, #tpu.memory_space<hbm>>
    tpu.enqueue_dma source(%arg8 : memref<32x1024xf32, #tpu.memory_space<vmem>>) target(%dma_start3A_201 : memref<32x1024xf32, #tpu.memory_space<hbm>>) target_semaphore(%arg14 : memref<!tpu.dma_semaphore, #tpu.memory_space<semaphore_mem>>)
    %dma_wait3A_202 = arith.constant 0 : i32
    %dma_wait3A_203 = tpu.memref_slice %arg5[%add3A_177, %dma_wait3A_202] : memref<16384x1025xf32, #tpu.memory_space<hbm>> -> memref<32x1024xf32, #tpu.memory_space<hbm>>
    %dma_wait3A_204 = arith.constant 0 : i32
    %dma_wait3A_205 = tpu.memref_slice %arg5[%add3A_177, %dma_wait3A_204] : memref<16384x1025xf32, #tpu.memory_space<hbm>> -> memref<32x1024xf32, #tpu.memory_space<hbm>>
    tpu.wait_dma2 semaphore(%arg16 : memref<!tpu.dma_semaphore, #tpu.memory_space<semaphore_mem>>) src(%arg10 : memref<32x1024xf32, #tpu.memory_space<vmem>>) dst(%dma_wait3A_205 : memref<32x1024xf32, #tpu.memory_space<hbm>>)
    %dma_start3A_206 = arith.constant 352 : i32
    %dma_start3A_207 = tpu.memref_slice %arg6[%dma_start3A_206] : memref<512xi32, #tpu.memory_space<vmem>> -> memref<32xi32, #tpu.memory_space<vmem>>
    %dma_start3A_208 = arith.constant 0 : i32
    %dma_start3A_209 = arith.constant 0 : i32
    %dma_start3A_210 = tpu.memref_slice %arg4[%dma_start3A_208, %dma_start3A_209] : memref<100000x1024xf32, #tpu.memory_space<hbm>> -> memref<100000x1024xf32, #tpu.memory_space<hbm>>
    tpu.enqueue_indirect_dma source(%dma_start3A_210 : memref<100000x1024xf32, #tpu.memory_space<hbm>>) target(%arg10 : memref<32x1024xf32, #tpu.memory_space<vmem>>) offsets(%dma_start3A_207 : memref<32xi32, #tpu.memory_space<vmem>>) semaphore(%arg13 : memref<!tpu.dma_semaphore, #tpu.memory_space<semaphore_mem>>)
    %dma_wait3A_211 = arith.constant 320 : i32
    %dma_wait3A_212 = tpu.memref_slice %arg6[%dma_wait3A_211] : memref<512xi32, #tpu.memory_space<vmem>> -> memref<32xi32, #tpu.memory_space<vmem>>
    %dma_wait3A_213 = arith.constant 0 : i32
    %dma_wait3A_214 = arith.constant 0 : i32
    %dma_wait3A_215 = tpu.memref_slice %arg4[%dma_wait3A_213, %dma_wait3A_214] : memref<100000x1024xf32, #tpu.memory_space<hbm>> -> memref<100000x1024xf32, #tpu.memory_space<hbm>>
    tpu.wait_indirect_dma semaphore(%arg12 : memref<!tpu.dma_semaphore, #tpu.memory_space<semaphore_mem>>) src(%dma_wait3A_215 : memref<100000x1024xf32, #tpu.memory_space<hbm>>) dst(%arg9 : memref<32x1024xf32, #tpu.memory_space<vmem>>)
    %add3A_216 = arith.constant 320 : i32
    %add3A_217 = arith.addi %mul3A_2, %add3A_216 : i32
    %dma_start3A_218 = arith.constant 0 : i32
    %dma_start3A_219 = tpu.memref_slice %arg5[%add3A_217, %dma_start3A_218] : memref<16384x1025xf32, #tpu.memory_space<hbm>> -> memref<32x1024xf32, #tpu.memory_space<hbm>>
    %dma_start3A_220 = arith.constant 0 : i32
    %dma_start3A_221 = tpu.memref_slice %arg5[%add3A_217, %dma_start3A_220] : memref<16384x1025xf32, #tpu.memory_space<hbm>> -> memref<32x1024xf32, #tpu.memory_space<hbm>>
    tpu.enqueue_dma source(%arg9 : memref<32x1024xf32, #tpu.memory_space<vmem>>) target(%dma_start3A_221 : memref<32x1024xf32, #tpu.memory_space<hbm>>) target_semaphore(%arg15 : memref<!tpu.dma_semaphore, #tpu.memory_space<semaphore_mem>>)
    %dma_wait3A_222 = arith.constant 0 : i32
    %dma_wait3A_223 = tpu.memref_slice %arg5[%add3A_197, %dma_wait3A_222] : memref<16384x1025xf32, #tpu.memory_space<hbm>> -> memref<32x1024xf32, #tpu.memory_space<hbm>>
    %dma_wait3A_224 = arith.constant 0 : i32
    %dma_wait3A_225 = tpu.memref_slice %arg5[%add3A_197, %dma_wait3A_224] : memref<16384x1025xf32, #tpu.memory_space<hbm>> -> memref<32x1024xf32, #tpu.memory_space<hbm>>
    tpu.wait_dma2 semaphore(%arg14 : memref<!tpu.dma_semaphore, #tpu.memory_space<semaphore_mem>>) src(%arg8 : memref<32x1024xf32, #tpu.memory_space<vmem>>) dst(%dma_wait3A_225 : memref<32x1024xf32, #tpu.memory_space<hbm>>)
    %dma_start3A_226 = arith.constant 384 : i32
    %dma_start3A_227 = tpu.memref_slice %arg6[%dma_start3A_226] : memref<512xi32, #tpu.memory_space<vmem>> -> memref<32xi32, #tpu.memory_space<vmem>>
    %dma_start3A_228 = arith.constant 0 : i32
    %dma_start3A_229 = arith.constant 0 : i32
    %dma_start3A_230 = tpu.memref_slice %arg4[%dma_start3A_228, %dma_start3A_229] : memref<100000x1024xf32, #tpu.memory_space<hbm>> -> memref<100000x1024xf32, #tpu.memory_space<hbm>>
    tpu.enqueue_indirect_dma source(%dma_start3A_230 : memref<100000x1024xf32, #tpu.memory_space<hbm>>) target(%arg8 : memref<32x1024xf32, #tpu.memory_space<vmem>>) offsets(%dma_start3A_227 : memref<32xi32, #tpu.memory_space<vmem>>) semaphore(%arg11 : memref<!tpu.dma_semaphore, #tpu.memory_space<semaphore_mem>>)
    %dma_wait3A_231 = arith.constant 352 : i32
    %dma_wait3A_232 = tpu.memref_slice %arg6[%dma_wait3A_231] : memref<512xi32, #tpu.memory_space<vmem>> -> memref<32xi32, #tpu.memory_space<vmem>>
    %dma_wait3A_233 = arith.constant 0 : i32
    %dma_wait3A_234 = arith.constant 0 : i32
    %dma_wait3A_235 = tpu.memref_slice %arg4[%dma_wait3A_233, %dma_wait3A_234] : memref<100000x1024xf32, #tpu.memory_space<hbm>> -> memref<100000x1024xf32, #tpu.memory_space<hbm>>
    tpu.wait_indirect_dma semaphore(%arg13 : memref<!tpu.dma_semaphore, #tpu.memory_space<semaphore_mem>>) src(%dma_wait3A_235 : memref<100000x1024xf32, #tpu.memory_space<hbm>>) dst(%arg10 : memref<32x1024xf32, #tpu.memory_space<vmem>>)
    %add3A_236 = arith.constant 352 : i32
    %add3A_237 = arith.addi %mul3A_2, %add3A_236 : i32
    %dma_start3A_238 = arith.constant 0 : i32
    %dma_start3A_239 = tpu.memref_slice %arg5[%add3A_237, %dma_start3A_238] : memref<16384x1025xf32, #tpu.memory_space<hbm>> -> memref<32x1024xf32, #tpu.memory_space<hbm>>
    %dma_start3A_240 = arith.constant 0 : i32
    %dma_start3A_241 = tpu.memref_slice %arg5[%add3A_237, %dma_start3A_240] : memref<16384x1025xf32, #tpu.memory_space<hbm>> -> memref<32x1024xf32, #tpu.memory_space<hbm>>
    tpu.enqueue_dma source(%arg10 : memref<32x1024xf32, #tpu.memory_space<vmem>>) target(%dma_start3A_241 : memref<32x1024xf32, #tpu.memory_space<hbm>>) target_semaphore(%arg16 : memref<!tpu.dma_semaphore, #tpu.memory_space<semaphore_mem>>)
    %dma_wait3A_242 = arith.constant 0 : i32
    %dma_wait3A_243 = tpu.memref_slice %arg5[%add3A_217, %dma_wait3A_242] : memref<16384x1025xf32, #tpu.memory_space<hbm>> -> memref<32x1024xf32, #tpu.memory_space<hbm>>
    %dma_wait3A_244 = arith.constant 0 : i32
    %dma_wait3A_245 = tpu.memref_slice %arg5[%add3A_217, %dma_wait3A_244] : memref<16384x1025xf32, #tpu.memory_space<hbm>> -> memref<32x1024xf32, #tpu.memory_space<hbm>>
    tpu.wait_dma2 semaphore(%arg15 : memref<!tpu.dma_semaphore, #tpu.memory_space<semaphore_mem>>) src(%arg9 : memref<32x1024xf32, #tpu.memory_space<vmem>>) dst(%dma_wait3A_245 : memref<32x1024xf32, #tpu.memory_space<hbm>>)
    %dma_start3A_246 = arith.constant 416 : i32
    %dma_start3A_247 = tpu.memref_slice %arg6[%dma_start3A_246] : memref<512xi32, #tpu.memory_space<vmem>> -> memref<32xi32, #tpu.memory_space<vmem>>
    %dma_start3A_248 = arith.constant 0 : i32
    %dma_start3A_249 = arith.constant 0 : i32
    %dma_start3A_250 = tpu.memref_slice %arg4[%dma_start3A_248, %dma_start3A_249] : memref<100000x1024xf32, #tpu.memory_space<hbm>> -> memref<100000x1024xf32, #tpu.memory_space<hbm>>
    tpu.enqueue_indirect_dma source(%dma_start3A_250 : memref<100000x1024xf32, #tpu.memory_space<hbm>>) target(%arg9 : memref<32x1024xf32, #tpu.memory_space<vmem>>) offsets(%dma_start3A_247 : memref<32xi32, #tpu.memory_space<vmem>>) semaphore(%arg12 : memref<!tpu.dma_semaphore, #tpu.memory_space<semaphore_mem>>)
    %dma_wait3A_251 = arith.constant 384 : i32
    %dma_wait3A_252 = tpu.memref_slice %arg6[%dma_wait3A_251] : memref<512xi32, #tpu.memory_space<vmem>> -> memref<32xi32, #tpu.memory_space<vmem>>
    %dma_wait3A_253 = arith.constant 0 : i32
    %dma_wait3A_254 = arith.constant 0 : i32
    %dma_wait3A_255 = tpu.memref_slice %arg4[%dma_wait3A_253, %dma_wait3A_254] : memref<100000x1024xf32, #tpu.memory_space<hbm>> -> memref<100000x1024xf32, #tpu.memory_space<hbm>>
    tpu.wait_indirect_dma semaphore(%arg11 : memref<!tpu.dma_semaphore, #tpu.memory_space<semaphore_mem>>) src(%dma_wait3A_255 : memref<100000x1024xf32, #tpu.memory_space<hbm>>) dst(%arg8 : memref<32x1024xf32, #tpu.memory_space<vmem>>)
    %add3A_256 = arith.constant 384 : i32
    %add3A_257 = arith.addi %mul3A_2, %add3A_256 : i32
    %dma_start3A_258 = arith.constant 0 : i32
    %dma_start3A_259 = tpu.memref_slice %arg5[%add3A_257, %dma_start3A_258] : memref<16384x1025xf32, #tpu.memory_space<hbm>> -> memref<32x1024xf32, #tpu.memory_space<hbm>>
    %dma_start3A_260 = arith.constant 0 : i32
    %dma_start3A_261 = tpu.memref_slice %arg5[%add3A_257, %dma_start3A_260] : memref<16384x1025xf32, #tpu.memory_space<hbm>> -> memref<32x1024xf32, #tpu.memory_space<hbm>>
    tpu.enqueue_dma source(%arg8 : memref<32x1024xf32, #tpu.memory_space<vmem>>) target(%dma_start3A_261 : memref<32x1024xf32, #tpu.memory_space<hbm>>) target_semaphore(%arg14 : memref<!tpu.dma_semaphore, #tpu.memory_space<semaphore_mem>>)
    %dma_wait3A_262 = arith.constant 0 : i32
    %dma_wait3A_263 = tpu.memref_slice %arg5[%add3A_237, %dma_wait3A_262] : memref<16384x1025xf32, #tpu.memory_space<hbm>> -> memref<32x1024xf32, #tpu.memory_space<hbm>>
    %dma_wait3A_264 = arith.constant 0 : i32
    %dma_wait3A_265 = tpu.memref_slice %arg5[%add3A_237, %dma_wait3A_264] : memref<16384x1025xf32, #tpu.memory_space<hbm>> -> memref<32x1024xf32, #tpu.memory_space<hbm>>
    tpu.wait_dma2 semaphore(%arg16 : memref<!tpu.dma_semaphore, #tpu.memory_space<semaphore_mem>>) src(%arg10 : memref<32x1024xf32, #tpu.memory_space<vmem>>) dst(%dma_wait3A_265 : memref<32x1024xf32, #tpu.memory_space<hbm>>)
    %dma_start3A_266 = arith.constant 448 : i32
    %dma_start3A_267 = tpu.memref_slice %arg6[%dma_start3A_266] : memref<512xi32, #tpu.memory_space<vmem>> -> memref<32xi32, #tpu.memory_space<vmem>>
    %dma_start3A_268 = arith.constant 0 : i32
    %dma_start3A_269 = arith.constant 0 : i32
    %dma_start3A_270 = tpu.memref_slice %arg4[%dma_start3A_268, %dma_start3A_269] : memref<100000x1024xf32, #tpu.memory_space<hbm>> -> memref<100000x1024xf32, #tpu.memory_space<hbm>>
    tpu.enqueue_indirect_dma source(%dma_start3A_270 : memref<100000x1024xf32, #tpu.memory_space<hbm>>) target(%arg10 : memref<32x1024xf32, #tpu.memory_space<vmem>>) offsets(%dma_start3A_267 : memref<32xi32, #tpu.memory_space<vmem>>) semaphore(%arg13 : memref<!tpu.dma_semaphore, #tpu.memory_space<semaphore_mem>>)
    %dma_wait3A_271 = arith.constant 416 : i32
    %dma_wait3A_272 = tpu.memref_slice %arg6[%dma_wait3A_271] : memref<512xi32, #tpu.memory_space<vmem>> -> memref<32xi32, #tpu.memory_space<vmem>>
    %dma_wait3A_273 = arith.constant 0 : i32
    %dma_wait3A_274 = arith.constant 0 : i32
    %dma_wait3A_275 = tpu.memref_slice %arg4[%dma_wait3A_273, %dma_wait3A_274] : memref<100000x1024xf32, #tpu.memory_space<hbm>> -> memref<100000x1024xf32, #tpu.memory_space<hbm>>
    tpu.wait_indirect_dma semaphore(%arg12 : memref<!tpu.dma_semaphore, #tpu.memory_space<semaphore_mem>>) src(%dma_wait3A_275 : memref<100000x1024xf32, #tpu.memory_space<hbm>>) dst(%arg9 : memref<32x1024xf32, #tpu.memory_space<vmem>>)
    %add3A_276 = arith.constant 416 : i32
    %add3A_277 = arith.addi %mul3A_2, %add3A_276 : i32
    %dma_start3A_278 = arith.constant 0 : i32
    %dma_start3A_279 = tpu.memref_slice %arg5[%add3A_277, %dma_start3A_278] : memref<16384x1025xf32, #tpu.memory_space<hbm>> -> memref<32x1024xf32, #tpu.memory_space<hbm>>
    %dma_start3A_280 = arith.constant 0 : i32
    %dma_start3A_281 = tpu.memref_slice %arg5[%add3A_277, %dma_start3A_280] : memref<16384x1025xf32, #tpu.memory_space<hbm>> -> memref<32x1024xf32, #tpu.memory_space<hbm>>
    tpu.enqueue_dma source(%arg9 : memref<32x1024xf32, #tpu.memory_space<vmem>>) target(%dma_start3A_281 : memref<32x1024xf32, #tpu.memory_space<hbm>>) target_semaphore(%arg15 : memref<!tpu.dma_semaphore, #tpu.memory_space<semaphore_mem>>)
    %dma_wait3A_282 = arith.constant 0 : i32
    %dma_wait3A_283 = tpu.memref_slice %arg5[%add3A_257, %dma_wait3A_282] : memref<16384x1025xf32, #tpu.memory_space<hbm>> -> memref<32x1024xf32, #tpu.memory_space<hbm>>
    %dma_wait3A_284 = arith.constant 0 : i32
    %dma_wait3A_285 = tpu.memref_slice %arg5[%add3A_257, %dma_wait3A_284] : memref<16384x1025xf32, #tpu.memory_space<hbm>> -> memref<32x1024xf32, #tpu.memory_space<hbm>>
    tpu.wait_dma2 semaphore(%arg14 : memref<!tpu.dma_semaphore, #tpu.memory_space<semaphore_mem>>) src(%arg8 : memref<32x1024xf32, #tpu.memory_space<vmem>>) dst(%dma_wait3A_285 : memref<32x1024xf32, #tpu.memory_space<hbm>>)
    %dma_start3A_286 = arith.constant 480 : i32
    %dma_start3A_287 = tpu.memref_slice %arg6[%dma_start3A_286] : memref<512xi32, #tpu.memory_space<vmem>> -> memref<32xi32, #tpu.memory_space<vmem>>
    %dma_start3A_288 = arith.constant 0 : i32
    %dma_start3A_289 = arith.constant 0 : i32
    %dma_start3A_290 = tpu.memref_slice %arg4[%dma_start3A_288, %dma_start3A_289] : memref<100000x1024xf32, #tpu.memory_space<hbm>> -> memref<100000x1024xf32, #tpu.memory_space<hbm>>
    tpu.enqueue_indirect_dma source(%dma_start3A_290 : memref<100000x1024xf32, #tpu.memory_space<hbm>>) target(%arg8 : memref<32x1024xf32, #tpu.memory_space<vmem>>) offsets(%dma_start3A_287 : memref<32xi32, #tpu.memory_space<vmem>>) semaphore(%arg11 : memref<!tpu.dma_semaphore, #tpu.memory_space<semaphore_mem>>)
    %dma_wait3A_291 = arith.constant 448 : i32
    %dma_wait3A_292 = tpu.memref_slice %arg6[%dma_wait3A_291] : memref<512xi32, #tpu.memory_space<vmem>> -> memref<32xi32, #tpu.memory_space<vmem>>
    %dma_wait3A_293 = arith.constant 0 : i32
    %dma_wait3A_294 = arith.constant 0 : i32
    %dma_wait3A_295 = tpu.memref_slice %arg4[%dma_wait3A_293, %dma_wait3A_294] : memref<100000x1024xf32, #tpu.memory_space<hbm>> -> memref<100000x1024xf32, #tpu.memory_space<hbm>>
    tpu.wait_indirect_dma semaphore(%arg13 : memref<!tpu.dma_semaphore, #tpu.memory_space<semaphore_mem>>) src(%dma_wait3A_295 : memref<100000x1024xf32, #tpu.memory_space<hbm>>) dst(%arg10 : memref<32x1024xf32, #tpu.memory_space<vmem>>)
    %add3A_296 = arith.constant 448 : i32
    %add3A_297 = arith.addi %mul3A_2, %add3A_296 : i32
    %dma_start3A_298 = arith.constant 0 : i32
    %dma_start3A_299 = tpu.memref_slice %arg5[%add3A_297, %dma_start3A_298] : memref<16384x1025xf32, #tpu.memory_space<hbm>> -> memref<32x1024xf32, #tpu.memory_space<hbm>>
    %dma_start3A_300 = arith.constant 0 : i32
    %dma_start3A_301 = tpu.memref_slice %arg5[%add3A_297, %dma_start3A_300] : memref<16384x1025xf32, #tpu.memory_space<hbm>> -> memref<32x1024xf32, #tpu.memory_space<hbm>>
    tpu.enqueue_dma source(%arg10 : memref<32x1024xf32, #tpu.memory_space<vmem>>) target(%dma_start3A_301 : memref<32x1024xf32, #tpu.memory_space<hbm>>) target_semaphore(%arg16 : memref<!tpu.dma_semaphore, #tpu.memory_space<semaphore_mem>>)
    %dma_wait3A_302 = arith.constant 480 : i32
    %dma_wait3A_303 = tpu.memref_slice %arg6[%dma_wait3A_302] : memref<512xi32, #tpu.memory_space<vmem>> -> memref<32xi32, #tpu.memory_space<vmem>>
    %dma_wait3A_304 = arith.constant 0 : i32
    %dma_wait3A_305 = arith.constant 0 : i32
    %dma_wait3A_306 = tpu.memref_slice %arg4[%dma_wait3A_304, %dma_wait3A_305] : memref<100000x1024xf32, #tpu.memory_space<hbm>> -> memref<100000x1024xf32, #tpu.memory_space<hbm>>
    tpu.wait_indirect_dma semaphore(%arg11 : memref<!tpu.dma_semaphore, #tpu.memory_space<semaphore_mem>>) src(%dma_wait3A_306 : memref<100000x1024xf32, #tpu.memory_space<hbm>>) dst(%arg8 : memref<32x1024xf32, #tpu.memory_space<vmem>>)
    %add3A_307 = arith.constant 480 : i32
    %add3A_308 = arith.addi %mul3A_2, %add3A_307 : i32
    %dma_start3A_309 = arith.constant 0 : i32
    %dma_start3A_310 = tpu.memref_slice %arg5[%add3A_308, %dma_start3A_309] : memref<16384x1025xf32, #tpu.memory_space<hbm>> -> memref<32x1024xf32, #tpu.memory_space<hbm>>
    %dma_start3A_311 = arith.constant 0 : i32
    %dma_start3A_312 = tpu.memref_slice %arg5[%add3A_308, %dma_start3A_311] : memref<16384x1025xf32, #tpu.memory_space<hbm>> -> memref<32x1024xf32, #tpu.memory_space<hbm>>
    tpu.enqueue_dma source(%arg8 : memref<32x1024xf32, #tpu.memory_space<vmem>>) target(%dma_start3A_312 : memref<32x1024xf32, #tpu.memory_space<hbm>>) target_semaphore(%arg14 : memref<!tpu.dma_semaphore, #tpu.memory_space<semaphore_mem>>)
    %dma_wait3A_313 = arith.constant 0 : i32
    %dma_wait3A_314 = tpu.memref_slice %arg5[%add3A_277, %dma_wait3A_313] : memref<16384x1025xf32, #tpu.memory_space<hbm>> -> memref<32x1024xf32, #tpu.memory_space<hbm>>
    %dma_wait3A_315 = arith.constant 0 : i32
    %dma_wait3A_316 = tpu.memref_slice %arg5[%add3A_277, %dma_wait3A_315] : memref<16384x1025xf32, #tpu.memory_space<hbm>> -> memref<32x1024xf32, #tpu.memory_space<hbm>>
    tpu.wait_dma2 semaphore(%arg15 : memref<!tpu.dma_semaphore, #tpu.memory_space<semaphore_mem>>) src(%arg9 : memref<32x1024xf32, #tpu.memory_space<vmem>>) dst(%dma_wait3A_316 : memref<32x1024xf32, #tpu.memory_space<hbm>>)
    %dma_wait3A_317 = arith.constant 0 : i32
    %dma_wait3A_318 = tpu.memref_slice %arg5[%add3A_297, %dma_wait3A_317] : memref<16384x1025xf32, #tpu.memory_space<hbm>> -> memref<32x1024xf32, #tpu.memory_space<hbm>>
    %dma_wait3A_319 = arith.constant 0 : i32
    %dma_wait3A_320 = tpu.memref_slice %arg5[%add3A_297, %dma_wait3A_319] : memref<16384x1025xf32, #tpu.memory_space<hbm>> -> memref<32x1024xf32, #tpu.memory_space<hbm>>
    tpu.wait_dma2 semaphore(%arg16 : memref<!tpu.dma_semaphore, #tpu.memory_space<semaphore_mem>>) src(%arg10 : memref<32x1024xf32, #tpu.memory_space<vmem>>) dst(%dma_wait3A_320 : memref<32x1024xf32, #tpu.memory_space<hbm>>)
    %dma_wait3A_321 = arith.constant 0 : i32
    %dma_wait3A_322 = tpu.memref_slice %arg5[%add3A_308, %dma_wait3A_321] : memref<16384x1025xf32, #tpu.memory_space<hbm>> -> memref<32x1024xf32, #tpu.memory_space<hbm>>
    %dma_wait3A_323 = arith.constant 0 : i32
    %dma_wait3A_324 = tpu.memref_slice %arg5[%add3A_308, %dma_wait3A_323] : memref<16384x1025xf32, #tpu.memory_space<hbm>> -> memref<32x1024xf32, #tpu.memory_space<hbm>>
    tpu.wait_dma2 semaphore(%arg14 : memref<!tpu.dma_semaphore, #tpu.memory_space<semaphore_mem>>) src(%arg8 : memref<32x1024xf32, #tpu.memory_space<vmem>>) dst(%dma_wait3A_324 : memref<32x1024xf32, #tpu.memory_space<hbm>>)
    %dma_wait3A_325 = arith.constant 1024 : i32
    %dma_wait3A_326 = tpu.memref_slice %arg5[%mul3A_2, %dma_wait3A_325] : memref<16384x1025xf32, #tpu.memory_space<hbm>> -> memref<512x1xf32, #tpu.memory_space<hbm>>
    %dma_wait3A_327 = arith.constant 1024 : i32
    %dma_wait3A_328 = tpu.memref_slice %arg5[%mul3A_2, %dma_wait3A_327] : memref<16384x1025xf32, #tpu.memory_space<hbm>> -> memref<512x1xf32, #tpu.memory_space<hbm>>
    tpu.wait_dma2 semaphore(%arg17 : memref<!tpu.dma_semaphore, #tpu.memory_space<semaphore_mem>>) src(%arg7 : memref<512x1xf32, #tpu.memory_space<vmem>>) dst(%dma_wait3A_328 : memref<512x1xf32, #tpu.memory_space<hbm>>)
    return
  }
}

</mosaic_0001>

<sc_bundles>
// kernel: kernel.3.cloned.1.call-start
scs
__scs_entry_jumppad:
0x0: {  	(pc) =	sbr.rel $0x88, $3  }
0x1: {  	(tag) =	ssettag $0x0;
	lr =	simm.s32 $0x1  }
0x2: {  	[smem:$0x3F9E] =	sst lr;
	_ =	strace $0xD0000000  }
0x3: {  	_ = 	snop  }
0x4: {  	_ = 	snop  }
0x5: {  	_ = 	snop  }
0x6: {  	_ = 	snop  }
0x7: {  	_ = 	snop  }
__scs_overlays_trampoline_lowered:
0x8: {  	[smem:$0x3FAD] =	sst s0  }
0x9: {  	[smem:$0x3FAE] =	sst s1  }
0xa: {  	[smem:$0x3FAF] =	sst s2  }
0xb: {  	[smem:$0x3FB0] =	sst s3  }
0xc: {  	[smem:$0x3FB1] =	sst s4  }
0xd: {  	[smem:$0x3FB2] =	sst s5  }
0xe: {  	[smem:$0x3FB3] =	sst s6  }
0xf: {  	[smem:$0x3FB4] =	sst s7  }
0x10: {  	[smem:$0x3FB5] =	sst s8  }
0x11: {  	[smem:$0x3FB6] =	sst s9;
	s0 =	simm.s32 @!p0 $0x0  }
0x12: {  	s1 =	sld [smem:$0x3F9C];
	s0 =	simm.s32 @p0 $0x1  }
0x13: {  	[smem:$0x3FB7] =	sst s0;
	s0 =	simm.s32 @!p1 $0x0  }
0x14: {  	s2 =	sld [smem:$0x3F9B];
	s0 =	simm.s32 @p1 $0x1  }
0x15: {  	[smem:$0x3FB8] =	sst s0;
	s0 =	simm.s32 @!p2 $0x0  }
0x16: {  	s3 =	sld [smem:$0x3FDB];
	s0 =	simm.s32 @p2 $0x1  }
0x17: {  	s4 =	simm.s32 $0x1BF5;
	[smem:$0x3FBA] =	sst s0  }
0x18: {  	s0 =	sld [smem:$0x3F9D];
	_ =	swait.ge [sflag:s4], $0x0  }
0x19: {  	s7 =	sld [smem:$0x3F9E]  }
0x1a: {  	s8 =	sadd.s32 $0xFFFFE003, lr  }
0x1b: {  	s9 =	sadd.s32 $0xFFFFFEF7, lr;
	s5 =	simm.s32 $0xFFFFFFFF;
	p2 =	slt.u32 s8, $0xFFFFF086  }
0x1c: {  	p1 =	slt.u32 s9, $0xF7A;
	s5 =	simm.s32 @!p2 $0x0  }
0x1d: {  	s5 =	simm.s32 @p1 $0x1;
	p0 =	seq.s32 s7, s2  }
0x1e: {  	s7 =	smul.u32 @!p0 $0xF7A, s2;
	p2 =	seq.s32 @!p0 s5, $0x0  }
0x1f: {  	s9 =	smul.u32 $0xF7A, s1;
	s8 =	simm.s32 @!p0 $0x1BF5;
	p2 =	por !p2, p0  }
0x20: {  	[sflag:s8] =	ssyncset.s32 @!p0 $0xFFFFF086;
	s6 =	sadd.s32 @!p0 s3, s7;
	s7 =	simm.s32 @!p0 $0x108  }
0x21: {  	s3 =	sadd.s32 s3, s9;
	s6 =	sadd.s32 @!p0 $0x88, s6;
	s7 =	simm.s32 @p2 $0x1082  }
0x22: {  	[simem:s7], [sflag:s8] =	dma.local @!p0 [hbm:s6], $0xF7A  }
0x23: {  	s9 =	sor.u32 $0xD0000000, s2;
	s6 =	simm.s32 $0x108;
	_ =	swait.ge @!p0 [sflag:s8], $0x0  }
0x24: {  	s3 =	sadd.s32 $0x88, s3;
	s6 =	simm.s32 @!p1 $0x1082;
	[sflag:s4] =	ssyncset.s32 $0xFFFFF086  }
0x25: {  	[simem:s6], [sflag:s4] =	dma.local [hbm:s3], $0xF7A  }
0x26: {  	[smem:$0x3F9E] =	sst s1;
	(tag) =	ssettag s2;
	_ =	strace s9  }
0x27: {  	s1 =	sld [smem:$0x3FAE]  }
0x28: {  	s2 =	sld [smem:$0x3FAF]  }
0x29: {  	s4 =	sld [smem:$0x3FB1]  }
0x2a: {  	p0 =	seq.s32 s5, $0x0;
	s5 =	sld [smem:$0x3FB2]  }
0x2b: {  	s6 =	sld [smem:$0x3FB3]  }
0x2c: {  	s7 =	sld [smem:$0x3FB4]  }
0x2d: {  	s3 =	simm.s32 $0x108;
	s8 =	sld [smem:$0x3FB5]  }
0x2e: {  	s3 =	simm.s32 @!p0 $0x1082;
	s9 =	sld [smem:$0x3FB6]  }
0x2f: {  	lr =	sadd.s32 s0, s3;
	s0 =	sld [smem:$0x3FAD]  }
0x30: {  	s3 =	sld [smem:$0x3FB0]  }
0x31: {  	[smem:$0x3FB9] =	sst s10  }
0x32: {  	s10 =	sld [smem:$0x3FB7];
	_ =	sdelay $0x3  }
0x33: {  	p0 =	seq.s32 s10, $0x1;
	s10 =	sld [smem:$0x3FB9];
	_ =	sdelay $0x3  }
0x34: {  	[smem:$0x3FB9] =	sst s10  }
0x35: {  	s10 =	sld [smem:$0x3FB8];
	_ =	sdelay $0x3  }
0x36: {  	p1 =	seq.s32 s10, $0x1;
	s10 =	sld [smem:$0x3FB9];
	_ =	sdelay $0x3  }
0x37: {  	[smem:$0x3FB9] =	sst s10  }
0x38: {  	s10 =	sld [smem:$0x3FBA]  }
0x39: {  	_ = 	snop;
	(pc) =	sbr.ind lr, $3  }
0x3a: {  	_ = 	snop  }
0x3b: {  	_ = 	snop  }
0x3c: {  	p2 =	seq.s32 s10, $0x1;
	s10 =	sld [smem:$0x3FB9]  }
0x3d: {  	_ =	shalt  }
0x3e: {  	_ =	shalt  }
0x3f: {  	_ =	shalt  }
0x40: {  	_ =	shalt  }
0x41: {  	_ =	shalt  }
0x42: {  	_ =	shalt  }
0x43: {  	_ =	shalt  }
0x44: {  	_ =	shalt  }
0x45: {  	_ =	shalt  }
0x46: {  	_ =	shalt  }
0x47: {  	_ =	shalt  }
0x48: {  	_ =	shalt  }
0x49: {  	_ =	shalt  }
0x4a: {  	_ =	shalt  }
0x4b: {  	_ =	shalt  }
0x4c: {  	_ =	shalt  }
0x4d: {  	_ =	shalt  }
0x4e: {  	_ =	shalt  }
0x4f: {  	_ =	shalt  }
0x50: {  	_ =	shalt  }
0x51: {  	_ =	shalt  }
0x52: {  	_ =	shalt  }
0x53: {  	_ =	shalt  }
0x54: {  	_ =	shalt  }
0x55: {  	_ =	shalt  }
0x56: {  	_ =	shalt  }
0x57: {  	_ =	shalt  }
0x58: {  	_ =	shalt  }
0x59: {  	_ =	shalt  }
0x5a: {  	_ =	shalt  }
0x5b: {  	_ =	shalt  }
0x5c: {  	_ =	shalt  }
0x5d: {  	_ =	shalt  }
0x5e: {  	_ =	shalt  }
0x5f: {  	_ =	shalt  }
0x60: {  	_ =	shalt  }
0x61: {  	_ =	shalt  }
0x62: {  	_ =	shalt  }
0x63: {  	_ =	shalt  }
0x64: {  	_ =	shalt  }
0x65: {  	_ =	shalt  }
0x66: {  	_ =	shalt  }
0x67: {  	_ =	shalt  }
0x68: {  	_ =	shalt  }
0x69: {  	_ =	shalt  }
0x6a: {  	_ =	shalt  }
0x6b: {  	_ =	shalt  }
0x6c: {  	_ =	shalt  }
0x6d: {  	_ =	shalt  }
0x6e: {  	_ =	shalt  }
0x6f: {  	_ =	shalt  }
0x70: {  	_ =	shalt  }
0x71: {  	_ =	shalt  }
0x72: {  	_ =	shalt  }
0x73: {  	_ =	shalt  }
0x74: {  	_ =	shalt  }
0x75: {  	_ =	shalt  }
0x76: {  	_ =	shalt  }
0x77: {  	_ =	shalt  }
0x78: {  	_ =	shalt  }
0x79: {  	_ =	shalt  }
0x7a: {  	_ =	shalt  }
0x7b: {  	_ =	shalt  }
0x7c: {  	_ =	shalt  }
0x7d: {  	_ =	shalt  }
0x7e: {  	_ =	shalt  }
0x7f: {  	_ =	shalt  }
0x80: {  	_ =	shalt  }
0x81: {  	_ =	shalt  }
0x82: {  	_ =	shalt  }
0x83: {  	_ =	shalt  }
0x84: {  	_ =	shalt  }
0x85: {  	_ =	shalt  }
0x86: {  	_ =	shalt  }
0x87: {  	_ =	shalt  }
.Lfunc_end0:
.L_simem_size_0:
called_computation.2_lowered:
.L_overlay_start_0:
0x88: {  	s2 =	sld [smem:$0x3FD9]  }
0x89: {  	s3 =	sld [smem:$0x3FFE];
	_ =	sdelay $0x1  }
0x8a: {  	s1 =	srdreg.scid  }
0x8b: {  	s0 =	sand.u32 $0x1, s1  }
0x8c: {  	s17 =	sshll.u32 s0, $0xA;
	s2 =	sadd.s32 s3, s2  }
0x8d: {  	s2 =	sadd.s32 s2, s17  }
0x8e: {  	[smem:$0x3FC5] =	sst s2  }
0x8f: {  	_ = 	snop  }
0x90: {  	s2 =	sld [smem:$0x3FD0];
	(tm) =	ssettm $0x1  }
0x91: {  	s18 =	sld [smem:$0x3FFB];
	_ =	sdelay $0x3  }
0x92: {  	_ =	strace s18  }
0x93: {  	s3 =	sld [smem:$0x3FFC];
	_ =	sdelay $0x3  }
0x94: {  	_ =	strace s3  }
0x95: {  	s3 =	sld [smem:$0x3FFD];
	_ =	sdelay $0x3  }
0x96: {  	_ =	strace s3  }
0x97: {  	_ =	strace $0x8FFFFFFF  }
0x98: {  	s19 =	sld [smem:$0x3FDB];
	_ =	sdelay $0x1  }
0x99: {  	s4 =	simm.s32 $_scs_section_size  }
0x9a: {  	s5 =	simm.s32 $_size__tile_overlayer_lowered;
	s6 =	simm.s32 $_tile_overlayer_lowered  }
0x9b: {  	s22 =	simm.s32 $0x1BFF;
	s21 =	sshll.u32 s6, $0x1;
	s3 =	sadd.s32 s4, s19  }
0x9c: {  	s7 =	simm.s32 $0x0;
	s20 =	sshll.u32 s5, $0x1;
	s5 =	sadd.s32 s21, s3  }
0x9d: {  	[timem:s7], [sflag:s22] =	dma.local [hbm:s5], s20  }
0x9e: {  	_ =	swait.ge [sflag:s22], s20  }
0x9f: {  	s4 =	ssub.s32 $0x0, s20;
	[sflag:s22] =	ssyncset.done $0x0  }
0xa0: {  	[sflag:s22] =	ssyncadd.s32 s4;
	_ =	sdelay $0x1  }
0xa1: {  	s23 =	simm.s32 $0x1B8B  }
0xa2: {  	_ =	swait.ge [sflag:s23], $0x1  }
0xa3: {  	[sflag:s23] =	ssyncset.done $0x0  }
0xa4: {  	s25 =	simm.s32 $0x1B8E;
	s24 =	sld [smem:$0x3FFE];
	[sflag:s23] =	ssyncadd.s32 $0xFFFFFFFF  }
0xa5: {  	s26 =	simm.s32 $execute0_lowered;
	[smem:$0x3FD2] =	sst s25  }
0xa6: {  	s5 =	sshll.u32 s26, $0x1;
	_ =	strace $0x80000049;
	[dreg:$0x1] =	wrdreg $0xFFFFFFFF  }
0xa7: {  	s28 =	simm.s32 $_size_execute0_lowered;
	s3 =	sadd.s32 s3, s5;
	[dreg:$0x0] =	wrdreg $0x0  }
0xa8: {  	s5 =	sshll.u32 s28, $0x1;
	[dreg:$0x2] =	wrdreg s3  }
0xa9: {  	[dreg:$0x3] =	wrdreg s5  }
0xaa: {  	[dreg:$0x4] =	wrdreg $0xC0  }
0xab: {  	_ =	task [dreg:s7], $0x5FFFF  }
0xac: {  	[dreg:$0x1] =	wrdreg $0xFFFFFFFF  }
0xad: {  	[dreg:$0x0] =	wrdreg $0x60  }
0xae: {  	[dreg:$0x2] =	wrdreg s24  }
0xaf: {  	[dreg:$0x3] =	wrdreg s2  }
0xb0: {  	[dreg:$0x4] =	wrdreg $0x9  }
0xb1: {  	_ =	task.clear_ibuf [dreg:s7], $0x5FFFF;
	_ =	strace $0x90000049  }
0xb2: {  	s29 =	simm.s32 $0x9;
	_ =	strace $0x8000004B  }
0xb3: {  	_ =	swait.ge [sflag:s29], $0x1  }
0xb4: {  	[sflag:s29] =	ssyncadd.s32 $0xFFFFFFFF  }
0xb5: {  	_ =	strace $0x9000004B  }
0xb6: {  	_ =	sfence  }
0xb7: {  	s30 =	sld [smem:$0x0];
	_ =	sdelay $0x2  }
0xb8: {  	s31 =	sshll.u32 s1, $0xD;
	s1 =	sshrl.u32 s1, $0x2  }
0xb9: {  	s3 =	sand.u32 $0x4000, s31;
	s1 =	sadd.s32 s1, s30  }
0xba: {  	s0 =	sor.u32 s3, s0;
	s1 =	sshll.u32 s1, $0x11  }
0xbb: {  	s0 =	sor.u32 s1, s0  }
0xbc: {  	s0 =	sadd.s32 $0x8F2B, s0  }
0xbd: {  	[sflag:s0] =	ssyncadd.remote.s32 $0x1  }
0xbe: {  	_ =	sfence.sel $0xFFFF  }
0xbf: {  	[dreg:$0x0] =	wrdreg $0xFFFFFFFF;
	(pc) =	sbr.abs _section_cstart, $3  }
0xc0: {  	[dreg:$0x1] =	wrdreg $0xFFFFFFFF  }
0xc1: {  	_ =	task.clear_ibuf [dreg:s7], $0x2FFFF;
	_ =	strace $0x9FFFFFFF  }
0xc2: {  	(tm) =	ssettm $0x7FFFFFFF  }
0xc3: {  	_ =	shalt  }
tec
execute0_lowered:
.L_overlay_start_1:
0x0: {  	(tag) =	ssettag $0x1  }
0x1: {  	s0 =	srdreg.scid;
	s1 =	rddreg [dreg:$0x0]  }
0x2: {  	s2 =	stileid.u32;
	s3 =	rddreg [dreg:$0x1]  }
0x3: {  	s22 =	simm.s32 $0x0;
	s24 =	simm.s32 $0x40;
	s25 =	simm.s32 $0x60  }
0x4: {  	s26 =	simm.s32 $0x80;
	s0 =	sand.u32 $0x1, s0;
	[smem:$0x7FF] =	sst s22  }
0x5: {  	s2 =	sshll.u32 s2, $0x1;
	_ =	strace $0x8000004A;
	[dreg:$0x15] =	wrdreg s24  }
0x6: {  	s7 =	sadd.s32 $0xC36800, s1;
	s2 =	sor.u32 s0, s2;
	[dreg:$0x16] =	wrdreg s25  }
0x7: {  	s0 =	ssub.s32 $0x2, s0;
	[dreg:$0x17] =	wrdreg s26;
	s5 =	smul.u32 $0x10200, s2  }
0x8: {  	s4 =	sshll.u32 s2, $0x6;
	s6 =	smul.u32 $0x81000, s2;
	s2 =	sshll.u32 s2, $0x9  }
0x9: {  	s19 =	sshrl.u32 s0, $0x1;
	s4 =	sadd.s32 s4, s1;
	s2 =	sadd.s32 s3, s2  }
0xa: {  	s0 =	ssub.s32 s0, s19;
	s4 =	sadd.s32 $0xC36000, s4;
	[dreg:$0x4] =	wrdreg s2  }
0xb: {  	s23 =	sadd.s32 s7, s5;
	s0 =	smax.u32 s0, $0x1;
	[dreg:$0x3] =	wrdreg s4  }
0xc: {  	s4 =	sshrl.u32 s6, $0x3;
	s5 =	sadd.s32 $0x80, s23;
	p1 =	sne.s32 s0, $0x1  }
0xd: {  	s3 =	sadd.s32 s7, s4;
	[dreg:$0x5] =	wrdreg s5;
	s5 =	sadd.s32 $0x1000, s1  }
0xe: {  	s1 =	sadd.s32 $0xFFFFFFFF, s0;
	s0 =	rddreg [dreg:$0x3];
	s6 =	sadd.s32 $0x1020, s3  }
0xf: {  	s7 =	sadd.s32 $0x2040, s3;
	[dreg:$0x6] =	wrdreg s6  }
0x10: {  	s8 =	sadd.s32 $0x3060, s3;
	[dreg:$0x7] =	wrdreg s7  }
0x11: {  	s9 =	sadd.s32 $0x4080, s3;
	[dreg:$0x8] =	wrdreg s8  }
0x12: {  	s30 =	simm.s32 $0x8;
	s10 =	sadd.s32 $0x50A0, s3;
	[dreg:$0x9] =	wrdreg s9  }
0x13: {  	s31 =	simm.s32 $0x200;
	s11 =	sadd.s32 $0x60C0, s3;
	[dreg:$0xa] =	wrdreg s10  }
0x14: {  	s29 =	simm.s32 $0xA0;
	s12 =	sadd.s32 $0x70E0, s3;
	[dreg:$0xb] =	wrdreg s11  }
0x15: {  	s28 =	simm.s32 $0xC0;
	s13 =	sadd.s32 $0x8100, s3;
	[dreg:$0xc] =	wrdreg s12  }
0x16: {  	p0 =	por $0x0, $0x0;
	s14 =	sadd.s32 $0x9120, s3;
	[dreg:$0xd] =	wrdreg s13  }
0x17: {  	s26 =	simm.s32 $0xE0;
	s15 =	sadd.s32 $0xA140, s3;
	[dreg:$0xe] =	wrdreg s14  }
0x18: {  	s25 =	simm.s32 $0x100;
	s16 =	sadd.s32 $0xB160, s3;
	[dreg:$0xf] =	wrdreg s15  }
0x19: {  	s24 =	simm.s32 $0x120;
	s17 =	sadd.s32 $0xC180, s3;
	[dreg:$0x10] =	wrdreg s16  }
0x1a: {  	s19 =	simm.s32 $0x180;
	s18 =	sadd.s32 $0xD1A0, s3;
	[dreg:$0x11] =	wrdreg s17  }
0x1b: {  	s2 =	simm.s32 $0x408;
	s20 =	sadd.s32 $0xE1C0, s3;
	[dreg:$0x12] =	wrdreg s18  }
0x1c: {  	s4 =	simm.s32 $0x4;
	s21 =	sadd.s32 $0xF1E0, s3;
	[dreg:$0x13] =	wrdreg s20  }
0x1d: {  	s3 =	simm.s32 $0x1200;
	[dreg:$0x14] =	wrdreg s21;
	s8 =	simm.s32 $0x20  }
.Ltmp0:
0x1e: {  	s12 =	simm.s32 $0x9200;
	s9 =	simm.s32 $0x11200;
	(pc) =	sbr.rel @!p1 .LBB2_3-.Ltmp0, $4  }
0x1f: {  	s6 =	simm.s32 $0x1;
	s7 =	simm.s32 $0x400;
	s15 =	simm.s32 $0x2  }
0x20: {  	s13 =	simm.s32 $0x3;
	s10 =	simm.s32 $0x5;
	s11 =	simm.s32 $0x6  }
0x21: {  	s21 =	simm.s32 $0x140;
	s20 =	simm.s32 $0x160;
	s18 =	simm.s32 $0x1A0  }
0x22: {  	s17 =	simm.s32 $0x1C0;
	s16 =	simm.s32 $0x1E0;
	s14 =	simm.s32 $0x7  }
0x23: {  	[tilespmem:s22], [sflag:$0x8] =	stream.linear.gather [hbm4b:s0+s22], $0x200, $0x38;
	[tilespmem:$0x19200] =	vst v63  }
0x24: {  	_ =	swait.ge [sflag:s30], $0x200  }
0x25: {  	[sflag:s30] =	ssyncset.done $0x0  }
0x26: {  	s0 =	rddreg [dreg:$0x4];
	[sflag:s30] =	ssyncadd.s32 $0xFFFFFE00  }
0x27: {  	[tilespmem:s31], [sflag:$0x8] =	stream.linear.gather [hbm4b:s0+s22], $0x1000, $0x38;
	[tilespmem:$0x19200] =	vst v63  }
0x28: {  	_ =	swait.ge [sflag:s30], $0x1000  }
0x29: {  	[sflag:s30] =	ssyncset.done $0x0  }
0x2a: {  	s0 =	rddreg [dreg:$0x5];
	[sflag:s30] =	ssyncadd.s32 $0xFFFFF000  }
0x2b: {  	[hbm4b:s0+s30] =	stream.strided.scatter [tilespmem:s31], [sflag:$0x7], $0x1000, s2, s30, $0x38;
	[tilespmem:$0x19200] =	vst v63  }
0x2c: {  	_ = 	snop  }
0x2d: {  	[tilespmem:s3], [sflag:$0x1] =	stream.indirect.gather [hbm4b:s5+s8], $0x400, s22, s8, $0xb8;
	[tilespmem:$0x19200] =	vst v63  }
0x2e: {  	_ = 	snop  }
0x2f: {  	[tilespmem:s12], [sflag:$0x2] =	stream.indirect.gather [hbm4b:s5+s8], $0x400, s8, s8, $0xb8;
	[tilespmem:$0x19200] =	vst v63  }
0x30: {  	s0 =	rddreg [dreg:$0x15]  }
0x31: {  	[tilespmem:s9], [sflag:$0x3] =	stream.indirect.gather [hbm4b:s5+s8], $0x400, s0, s8, $0xb8;
	[tilespmem:$0x19200] =	vst v63  }
0x32: {  	_ =	swait.ge [sflag:s6], $0x8000  }
0x33: {  	[sflag:s6] =	ssyncset.done $0x0  }
0x34: {  	[sflag:s6] =	ssyncadd.s32 $0xFFFF8000  }
0x35: {  	[hbm4b:s23+s7] =	stream.strided.scatter [tilespmem:s3], [sflag:$0x4], $0x8000, s2, s7, $0x38;
	[tilespmem:$0x19200] =	vst v63  }
0x36: {  	_ =	swait.ge [sflag:s15], $0x8000  }
0x37: {  	[sflag:s15] =	ssyncset.done $0x0  }
0x38: {  	s0 =	rddreg [dreg:$0x6];
	[sflag:s15] =	ssyncadd.s32 $0xFFFF8000  }
0x39: {  	[hbm4b:s0+s7] =	stream.strided.scatter [tilespmem:s12], [sflag:$0x5], $0x8000, s2, s7, $0x38;
	[tilespmem:$0x19200] =	vst v63  }
0x3a: {  	_ =	swait.ge [sflag:s4], $0x8000  }
0x3b: {  	[sflag:s4] =	ssyncset.done $0x0  }
0x3c: {  	s0 =	rddreg [dreg:$0x16];
	[sflag:s4] =	ssyncadd.s32 $0xFFFF8000  }
0x3d: {  	[tilespmem:s3], [sflag:$0x1] =	stream.indirect.gather [hbm4b:s5+s8], $0x400, s0, s8, $0xb8;
	[tilespmem:$0x19200] =	vst v63  }
0x3e: {  	_ =	swait.ge [sflag:s13], $0x8000  }
0x3f: {  	[sflag:s13] =	ssyncset.done $0x0  }
0x40: {  	s0 =	rddreg [dreg:$0x7];
	[sflag:s13] =	ssyncadd.s32 $0xFFFF8000  }
0x41: {  	[hbm4b:s0+s7] =	stream.strided.scatter [tilespmem:s9], [sflag:$0x6], $0x8000, s2, s7, $0x38;
	[tilespmem:$0x19200] =	vst v63  }
0x42: {  	_ =	swait.ge [sflag:s10], $0x8000  }
0x43: {  	[sflag:s10] =	ssyncset.done $0x0  }
0x44: {  	s0 =	rddreg [dreg:$0x17];
	[sflag:s10] =	ssyncadd.s32 $0xFFFF8000  }
0x45: {  	[tilespmem:s12], [sflag:$0x2] =	stream.indirect.gather [hbm4b:s5+s8], $0x400, s0, s8, $0xb8;
	[tilespmem:$0x19200] =	vst v63  }
0x46: {  	_ =	swait.ge [sflag:s6], $0x8000  }
0x47: {  	[sflag:s6] =	ssyncset.done $0x0  }
0x48: {  	s0 =	rddreg [dreg:$0x8];
	[sflag:s6] =	ssyncadd.s32 $0xFFFF8000  }
0x49: {  	[hbm4b:s0+s7] =	stream.strided.scatter [tilespmem:s3], [sflag:$0x4], $0x8000, s2, s7, $0x38;
	[tilespmem:$0x19200] =	vst v63  }
0x4a: {  	_ =	swait.ge [sflag:s11], $0x8000  }
0x4b: {  	[sflag:s11] =	ssyncset.done $0x0  }
0x4c: {  	[sflag:s11] =	ssyncadd.s32 $0xFFFF8000  }
0x4d: {  	[tilespmem:s9], [sflag:$0x3] =	stream.indirect.gather [hbm4b:s5+s8], $0x400, s29, s8, $0xb8;
	[tilespmem:$0x19200] =	vst v63  }
0x4e: {  	_ =	swait.ge [sflag:s15], $0x8000  }
0x4f: {  	[sflag:s15] =	ssyncset.done $0x0  }
0x50: {  	s0 =	rddreg [dreg:$0x9];
	[sflag:s15] =	ssyncadd.s32 $0xFFFF8000  }
0x51: {  	[hbm4b:s0+s7] =	stream.strided.scatter [tilespmem:s12], [sflag:$0x5], $0x8000, s2, s7, $0x38;
	[tilespmem:$0x19200] =	vst v63  }
0x52: {  	_ =	swait.ge [sflag:s4], $0x8000  }
0x53: {  	[sflag:s4] =	ssyncset.done $0x0  }
0x54: {  	[sflag:s4] =	ssyncadd.s32 $0xFFFF8000  }
0x55: {  	[tilespmem:s3], [sflag:$0x1] =	stream.indirect.gather [hbm4b:s5+s8], $0x400, s28, s8, $0xb8;
	[tilespmem:$0x19200] =	vst v63  }
0x56: {  	_ =	swait.ge [sflag:s13], $0x8000  }
0x57: {  	[sflag:s13] =	ssyncset.done $0x0  }
0x58: {  	s0 =	rddreg [dreg:$0xa];
	[sflag:s13] =	ssyncadd.s32 $0xFFFF8000  }
0x59: {  	[hbm4b:s0+s7] =	stream.strided.scatter [tilespmem:s9], [sflag:$0x6], $0x8000, s2, s7, $0x38;
	[tilespmem:$0x19200] =	vst v63  }
0x5a: {  	_ =	swait.ge [sflag:s10], $0x8000  }
0x5b: {  	[sflag:s10] =	ssyncset.done $0x0  }
0x5c: {  	[sflag:s10] =	ssyncadd.s32 $0xFFFF8000  }
0x5d: {  	[tilespmem:s12], [sflag:$0x2] =	stream.indirect.gather [hbm4b:s5+s8], $0x400, s26, s8, $0xb8;
	[tilespmem:$0x19200] =	vst v63  }
0x5e: {  	_ =	swait.ge [sflag:s6], $0x8000  }
0x5f: {  	[sflag:s6] =	ssyncset.done $0x0  }
0x60: {  	s0 =	rddreg [dreg:$0xb];
	[sflag:s6] =	ssyncadd.s32 $0xFFFF8000  }
0x61: {  	[hbm4b:s0+s7] =	stream.strided.scatter [tilespmem:s3], [sflag:$0x4], $0x8000, s2, s7, $0x38;
	[tilespmem:$0x19200] =	vst v63  }
0x62: {  	_ =	swait.ge [sflag:s11], $0x8000  }
0x63: {  	[sflag:s11] =	ssyncset.done $0x0  }
0x64: {  	[sflag:s11] =	ssyncadd.s32 $0xFFFF8000  }
0x65: {  	[tilespmem:s9], [sflag:$0x3] =	stream.indirect.gather [hbm4b:s5+s8], $0x400, s25, s8, $0xb8;
	[tilespmem:$0x19200] =	vst v63  }
0x66: {  	_ =	swait.ge [sflag:s15], $0x8000  }
0x67: {  	[sflag:s15] =	ssyncset.done $0x0  }
0x68: {  	s0 =	rddreg [dreg:$0xc];
	[sflag:s15] =	ssyncadd.s32 $0xFFFF8000  }
0x69: {  	[hbm4b:s0+s7] =	stream.strided.scatter [tilespmem:s12], [sflag:$0x5], $0x8000, s2, s7, $0x38;
	[tilespmem:$0x19200] =	vst v63  }
0x6a: {  	_ =	swait.ge [sflag:s4], $0x8000  }
0x6b: {  	[sflag:s4] =	ssyncset.done $0x0  }
0x6c: {  	[sflag:s4] =	ssyncadd.s32 $0xFFFF8000  }
0x6d: {  	[tilespmem:s3], [sflag:$0x1] =	stream.indirect.gather [hbm4b:s5+s8], $0x400, s24, s8, $0xb8;
	[tilespmem:$0x19200] =	vst v63  }
0x6e: {  	_ =	swait.ge [sflag:s13], $0x8000  }
0x6f: {  	[sflag:s13] =	ssyncset.done $0x0  }
0x70: {  	s0 =	rddreg [dreg:$0xd];
	[sflag:s13] =	ssyncadd.s32 $0xFFFF8000  }
0x71: {  	[hbm4b:s0+s7] =	stream.strided.scatter [tilespmem:s9], [sflag:$0x6], $0x8000, s2, s7, $0x38;
	[tilespmem:$0x19200] =	vst v63  }
0x72: {  	_ =	swait.ge [sflag:s10], $0x8000  }
0x73: {  	[sflag:s10] =	ssyncset.done $0x0  }
0x74: {  	[sflag:s10] =	ssyncadd.s32 $0xFFFF8000  }
0x75: {  	[tilespmem:s12], [sflag:$0x2] =	stream.indirect.gather [hbm4b:s5+s8], $0x400, s21, s8, $0xb8;
	[tilespmem:$0x19200] =	vst v63  }
0x76: {  	_ =	swait.ge [sflag:s6], $0x8000  }
0x77: {  	[sflag:s6] =	ssyncset.done $0x0  }
0x78: {  	s0 =	rddreg [dreg:$0xe];
	[sflag:s6] =	ssyncadd.s32 $0xFFFF8000  }
0x79: {  	[hbm4b:s0+s7] =	stream.strided.scatter [tilespmem:s3], [sflag:$0x4], $0x8000, s2, s7, $0x38;
	[tilespmem:$0x19200] =	vst v63  }
0x7a: {  	_ =	swait.ge [sflag:s11], $0x8000  }
0x7b: {  	[sflag:s11] =	ssyncset.done $0x0  }
0x7c: {  	[sflag:s11] =	ssyncadd.s32 $0xFFFF8000  }
0x7d: {  	[tilespmem:s9], [sflag:$0x3] =	stream.indirect.gather [hbm4b:s5+s8], $0x400, s20, s8, $0xb8;
	[tilespmem:$0x19200] =	vst v63  }
0x7e: {  	_ =	swait.ge [sflag:s15], $0x8000  }
0x7f: {  	[sflag:s15] =	ssyncset.done $0x0  }
0x80: {  	s0 =	rddreg [dreg:$0xf];
	[sflag:s15] =	ssyncadd.s32 $0xFFFF8000  }
0x81: {  	[hbm4b:s0+s7] =	stream.strided.scatter [tilespmem:s12], [sflag:$0x5], $0x8000, s2, s7, $0x38;
	[tilespmem:$0x19200] =	vst v63  }
0x82: {  	_ =	swait.ge [sflag:s4], $0x8000  }
0x83: {  	[sflag:s4] =	ssyncset.done $0x0  }
0x84: {  	[sflag:s4] =	ssyncadd.s32 $0xFFFF8000  }
0x85: {  	[tilespmem:s3], [sflag:$0x1] =	stream.indirect.gather [hbm4b:s5+s8], $0x400, s19, s8, $0xb8;
	[tilespmem:$0x19200] =	vst v63  }
0x86: {  	_ =	swait.ge [sflag:s13], $0x8000  }
0x87: {  	[sflag:s13] =	ssyncset.done $0x0  }
0x88: {  	s0 =	rddreg [dreg:$0x10];
	[sflag:s13] =	ssyncadd.s32 $0xFFFF8000  }
0x89: {  	[hbm4b:s0+s7] =	stream.strided.scatter [tilespmem:s9], [sflag:$0x6], $0x8000, s2, s7, $0x38;
	[tilespmem:$0x19200] =	vst v63  }
0x8a: {  	_ =	swait.ge [sflag:s10], $0x8000  }
0x8b: {  	[sflag:s10] =	ssyncset.done $0x0  }
0x8c: {  	[sflag:s10] =	ssyncadd.s32 $0xFFFF8000  }
0x8d: {  	[tilespmem:s12], [sflag:$0x2] =	stream.indirect.gather [hbm4b:s5+s8], $0x400, s18, s8, $0xb8;
	[tilespmem:$0x19200] =	vst v63  }
0x8e: {  	_ =	swait.ge [sflag:s6], $0x8000  }
0x8f: {  	[sflag:s6] =	ssyncset.done $0x0  }
0x90: {  	s0 =	rddreg [dreg:$0x11];
	[sflag:s6] =	ssyncadd.s32 $0xFFFF8000  }
0x91: {  	[hbm4b:s0+s7] =	stream.strided.scatter [tilespmem:s3], [sflag:$0x4], $0x8000, s2, s7, $0x38;
	[tilespmem:$0x19200] =	vst v63  }
0x92: {  	_ =	swait.ge [sflag:s11], $0x8000  }
0x93: {  	[sflag:s11] =	ssyncset.done $0x0  }
0x94: {  	[sflag:s11] =	ssyncadd.s32 $0xFFFF8000  }
0x95: {  	[tilespmem:s9], [sflag:$0x3] =	stream.indirect.gather [hbm4b:s5+s8], $0x400, s17, s8, $0xb8;
	[tilespmem:$0x19200] =	vst v63  }
0x96: {  	_ =	swait.ge [sflag:s15], $0x8000  }
0x97: {  	[sflag:s15] =	ssyncset.done $0x0  }
0x98: {  	s0 =	rddreg [dreg:$0x12];
	[sflag:s15] =	ssyncadd.s32 $0xFFFF8000  }
0x99: {  	[hbm4b:s0+s7] =	stream.strided.scatter [tilespmem:s12], [sflag:$0x5], $0x8000, s2, s7, $0x38;
	[tilespmem:$0x19200] =	vst v63  }
0x9a: {  	_ =	swait.ge [sflag:s4], $0x8000  }
0x9b: {  	[sflag:s4] =	ssyncset.done $0x0  }
0x9c: {  	[sflag:s4] =	ssyncadd.s32 $0xFFFF8000  }
0x9d: {  	[tilespmem:s3], [sflag:$0x1] =	stream.indirect.gather [hbm4b:s5+s8], $0x400, s16, s8, $0xb8;
	[tilespmem:$0x19200] =	vst v63  }
0x9e: {  	_ =	swait.ge [sflag:s13], $0x8000  }
0x9f: {  	[sflag:s13] =	ssyncset.done $0x0  }
0xa0: {  	s0 =	rddreg [dreg:$0x13];
	[sflag:s13] =	ssyncadd.s32 $0xFFFF8000  }
0xa1: {  	[hbm4b:s0+s7] =	stream.strided.scatter [tilespmem:s9], [sflag:$0x6], $0x8000, s2, s7, $0x38;
	[tilespmem:$0x19200] =	vst v63  }
0xa2: {  	_ =	swait.ge [sflag:s6], $0x8000  }
0xa3: {  	[sflag:s6] =	ssyncset.done $0x0  }
0xa4: {  	s0 =	rddreg [dreg:$0x14];
	[sflag:s6] =	ssyncadd.s32 $0xFFFF8000  }
0xa5: {  	[hbm4b:s0+s7] =	stream.strided.scatter [tilespmem:s3], [sflag:$0x4], $0x8000, s2, s7, $0x38;
	[tilespmem:$0x19200] =	vst v63  }
0xa6: {  	_ =	swait.ge [sflag:s10], $0x8000  }
0xa7: {  	[sflag:s10] =	ssyncset.done $0x0  }
0xa8: {  	[sflag:s10] =	ssyncadd.s32 $0xFFFF8000  }
0xa9: {  	_ =	swait.ge [sflag:s11], $0x8000  }
0xaa: {  	[sflag:s11] =	ssyncset.done $0x0  }
0xab: {  	p1 =	sne.s32 s1, $0x1;
	[sflag:s11] =	ssyncadd.s32 $0xFFFF8000  }
.Ltmp1:
0xac: {  	_ =	swait.ge [sflag:s4], $0x8000;
	(pc) =	sbr.rel @!p1 .LBB2_3-.Ltmp1, $4  }
0xad: {  	[sflag:s4] =	ssyncset.done $0x0  }
0xae: {  	[sflag:s4] =	ssyncadd.s32 $0xFFFF8000  }
0xaf: {  	s1 =	sadd.s32 $0xFFFFFFFF, s1;
	_ =	swait.ge [sflag:s14], $0x1000  }
0xb0: {  	p0 =	por $0x1, $0x1;
	s0 =	rddreg [dreg:$0x3];
	[sflag:s14] =	ssyncset.done $0x0  }
.LBB2_2:
0xb1: {  	[sflag:s14] =	ssyncadd.s32 $0xFFFFF000  }
0xb2: {  	[tilespmem:s22], [sflag:$0x8] =	stream.linear.gather [hbm4b:s0+s22], $0x200, $0x38;
	[tilespmem:$0x19200] =	vst v63  }
0xb3: {  	_ =	swait.ge [sflag:s30], $0x200  }
0xb4: {  	[sflag:s30] =	ssyncset.done $0x0  }
0xb5: {  	s0 =	rddreg [dreg:$0x4];
	[sflag:s30] =	ssyncadd.s32 $0xFFFFFE00  }
0xb6: {  	[tilespmem:s31], [sflag:$0x8] =	stream.linear.gather [hbm4b:s0+s22], $0x1000, $0x38;
	[tilespmem:$0x19200] =	vst v63  }
0xb7: {  	_ =	swait.ge [sflag:s30], $0x1000  }
0xb8: {  	[sflag:s30] =	ssyncset.done $0x0  }
0xb9: {  	s0 =	rddreg [dreg:$0x5];
	[sflag:s30] =	ssyncadd.s32 $0xFFFFF000  }
0xba: {  	[hbm4b:s0+s30] =	stream.strided.scatter [tilespmem:s31], [sflag:$0x7], $0x1000, s2, s30, $0x38;
	[tilespmem:$0x19200] =	vst v63  }
0xbb: {  	_ = 	snop  }
0xbc: {  	[tilespmem:s3], [sflag:$0x1] =	stream.indirect.gather [hbm4b:s5+s8], $0x400, s22, s8, $0xb8;
	[tilespmem:$0x19200] =	vst v63  }
0xbd: {  	_ = 	snop  }
0xbe: {  	[tilespmem:s12], [sflag:$0x2] =	stream.indirect.gather [hbm4b:s5+s8], $0x400, s8, s8, $0xb8;
	[tilespmem:$0x19200] =	vst v63  }
0xbf: {  	s0 =	rddreg [dreg:$0x15]  }
0xc0: {  	[tilespmem:s9], [sflag:$0x3] =	stream.indirect.gather [hbm4b:s5+s8], $0x400, s0, s8, $0xb8;
	[tilespmem:$0x19200] =	vst v63  }
0xc1: {  	_ =	swait.ge [sflag:s6], $0x8000  }
0xc2: {  	[sflag:s6] =	ssyncset.done $0x0  }
0xc3: {  	[sflag:s6] =	ssyncadd.s32 $0xFFFF8000  }
0xc4: {  	[hbm4b:s23+s7] =	stream.strided.scatter [tilespmem:s3], [sflag:$0x4], $0x8000, s2, s7, $0x38;
	[tilespmem:$0x19200] =	vst v63  }
0xc5: {  	_ =	swait.ge [sflag:s15], $0x8000  }
0xc6: {  	[sflag:s15] =	ssyncset.done $0x0  }
0xc7: {  	s0 =	rddreg [dreg:$0x6];
	[sflag:s15] =	ssyncadd.s32 $0xFFFF8000  }
0xc8: {  	[hbm4b:s0+s7] =	stream.strided.scatter [tilespmem:s12], [sflag:$0x5], $0x8000, s2, s7, $0x38;
	[tilespmem:$0x19200] =	vst v63  }
0xc9: {  	_ =	swait.ge [sflag:s4], $0x8000  }
0xca: {  	[sflag:s4] =	ssyncset.done $0x0  }
0xcb: {  	s0 =	rddreg [dreg:$0x16];
	[sflag:s4] =	ssyncadd.s32 $0xFFFF8000  }
0xcc: {  	[tilespmem:s3], [sflag:$0x1] =	stream.indirect.gather [hbm4b:s5+s8], $0x400, s0, s8, $0xb8;
	[tilespmem:$0x19200] =	vst v63  }
0xcd: {  	_ =	swait.ge [sflag:s13], $0x8000  }
0xce: {  	[sflag:s13] =	ssyncset.done $0x0  }
0xcf: {  	s0 =	rddreg [dreg:$0x7];
	[sflag:s13] =	ssyncadd.s32 $0xFFFF8000  }
0xd0: {  	[hbm4b:s0+s7] =	stream.strided.scatter [tilespmem:s9], [sflag:$0x6], $0x8000, s2, s7, $0x38;
	[tilespmem:$0x19200] =	vst v63  }
0xd1: {  	_ =	swait.ge [sflag:s10], $0x8000  }
0xd2: {  	[sflag:s10] =	ssyncset.done $0x0  }
0xd3: {  	s0 =	rddreg [dreg:$0x17];
	[sflag:s10] =	ssyncadd.s32 $0xFFFF8000  }
0xd4: {  	[tilespmem:s12], [sflag:$0x2] =	stream.indirect.gather [hbm4b:s5+s8], $0x400, s0, s8, $0xb8;
	[tilespmem:$0x19200] =	vst v63  }
0xd5: {  	_ =	swait.ge [sflag:s6], $0x8000  }
0xd6: {  	[sflag:s6] =	ssyncset.done $0x0  }
0xd7: {  	s0 =	rddreg [dreg:$0x8];
	[sflag:s6] =	ssyncadd.s32 $0xFFFF8000  }
0xd8: {  	[hbm4b:s0+s7] =	stream.strided.scatter [tilespmem:s3], [sflag:$0x4], $0x8000, s2, s7, $0x38;
	[tilespmem:$0x19200] =	vst v63  }
0xd9: {  	_ =	swait.ge [sflag:s11], $0x8000  }
0xda: {  	[sflag:s11] =	ssyncset.done $0x0  }
0xdb: {  	[sflag:s11] =	ssyncadd.s32 $0xFFFF8000  }
0xdc: {  	[tilespmem:s9], [sflag:$0x3] =	stream.indirect.gather [hbm4b:s5+s8], $0x400, s29, s8, $0xb8;
	[tilespmem:$0x19200] =	vst v63  }
0xdd: {  	_ =	swait.ge [sflag:s15], $0x8000  }
0xde: {  	[sflag:s15] =	ssyncset.done $0x0  }
0xdf: {  	s0 =	rddreg [dreg:$0x9];
	[sflag:s15] =	ssyncadd.s32 $0xFFFF8000  }
0xe0: {  	[hbm4b:s0+s7] =	stream.strided.scatter [tilespmem:s12], [sflag:$0x5], $0x8000, s2, s7, $0x38;
	[tilespmem:$0x19200] =	vst v63  }
0xe1: {  	_ =	swait.ge [sflag:s4], $0x8000  }
0xe2: {  	[sflag:s4] =	ssyncset.done $0x0  }
0xe3: {  	[sflag:s4] =	ssyncadd.s32 $0xFFFF8000  }
0xe4: {  	[tilespmem:s3], [sflag:$0x1] =	stream.indirect.gather [hbm4b:s5+s8], $0x400, s28, s8, $0xb8;
	[tilespmem:$0x19200] =	vst v63  }
0xe5: {  	_ =	swait.ge [sflag:s13], $0x8000  }
0xe6: {  	[sflag:s13] =	ssyncset.done $0x0  }
0xe7: {  	s0 =	rddreg [dreg:$0xa];
	[sflag:s13] =	ssyncadd.s32 $0xFFFF8000  }
0xe8: {  	[hbm4b:s0+s7] =	stream.strided.scatter [tilespmem:s9], [sflag:$0x6], $0x8000, s2, s7, $0x38;
	[tilespmem:$0x19200] =	vst v63  }
0xe9: {  	_ =	swait.ge [sflag:s10], $0x8000  }
0xea: {  	[sflag:s10] =	ssyncset.done $0x0  }
0xeb: {  	[sflag:s10] =	ssyncadd.s32 $0xFFFF8000  }
0xec: {  	[tilespmem:s12], [sflag:$0x2] =	stream.indirect.gather [hbm4b:s5+s8], $0x400, s26, s8, $0xb8;
	[tilespmem:$0x19200] =	vst v63  }
0xed: {  	_ =	swait.ge [sflag:s6], $0x8000  }
0xee: {  	[sflag:s6] =	ssyncset.done $0x0  }
0xef: {  	s0 =	rddreg [dreg:$0xb];
	[sflag:s6] =	ssyncadd.s32 $0xFFFF8000  }
0xf0: {  	[hbm4b:s0+s7] =	stream.strided.scatter [tilespmem:s3], [sflag:$0x4], $0x8000, s2, s7, $0x38;
	[tilespmem:$0x19200] =	vst v63  }
0xf1: {  	_ =	swait.ge [sflag:s11], $0x8000  }
0xf2: {  	[sflag:s11] =	ssyncset.done $0x0  }
0xf3: {  	[sflag:s11] =	ssyncadd.s32 $0xFFFF8000  }
0xf4: {  	[tilespmem:s9], [sflag:$0x3] =	stream.indirect.gather [hbm4b:s5+s8], $0x400, s25, s8, $0xb8;
	[tilespmem:$0x19200] =	vst v63  }
0xf5: {  	_ =	swait.ge [sflag:s15], $0x8000  }
0xf6: {  	[sflag:s15] =	ssyncset.done $0x0  }
0xf7: {  	s0 =	rddreg [dreg:$0xc];
	[sflag:s15] =	ssyncadd.s32 $0xFFFF8000  }
0xf8: {  	[hbm4b:s0+s7] =	stream.strided.scatter [tilespmem:s12], [sflag:$0x5], $0x8000, s2, s7, $0x38;
	[tilespmem:$0x19200] =	vst v63  }
0xf9: {  	_ =	swait.ge [sflag:s4], $0x8000  }
0xfa: {  	[sflag:s4] =	ssyncset.done $0x0  }
0xfb: {  	[sflag:s4] =	ssyncadd.s32 $0xFFFF8000  }
0xfc: {  	[tilespmem:s3], [sflag:$0x1] =	stream.indirect.gather [hbm4b:s5+s8], $0x400, s24, s8, $0xb8;
	[tilespmem:$0x19200] =	vst v63  }
0xfd: {  	_ =	swait.ge [sflag:s13], $0x8000  }
0xfe: {  	[sflag:s13] =	ssyncset.done $0x0  }
0xff: {  	s0 =	rddreg [dreg:$0xd];
	[sflag:s13] =	ssyncadd.s32 $0xFFFF8000  }
0x100: {  	[hbm4b:s0+s7] =	stream.strided.scatter [tilespmem:s9], [sflag:$0x6], $0x8000, s2, s7, $0x38;
	[tilespmem:$0x19200] =	vst v63  }
0x101: {  	_ =	swait.ge [sflag:s10], $0x8000  }
0x102: {  	[sflag:s10] =	ssyncset.done $0x0  }
0x103: {  	[sflag:s10] =	ssyncadd.s32 $0xFFFF8000  }
0x104: {  	[tilespmem:s12], [sflag:$0x2] =	stream.indirect.gather [hbm4b:s5+s8], $0x400, s21, s8, $0xb8;
	[tilespmem:$0x19200] =	vst v63  }
0x105: {  	_ =	swait.ge [sflag:s6], $0x8000  }
0x106: {  	[sflag:s6] =	ssyncset.done $0x0  }
0x107: {  	s0 =	rddreg [dreg:$0xe];
	[sflag:s6] =	ssyncadd.s32 $0xFFFF8000  }
0x108: {  	[hbm4b:s0+s7] =	stream.strided.scatter [tilespmem:s3], [sflag:$0x4], $0x8000, s2, s7, $0x38;
	[tilespmem:$0x19200] =	vst v63  }
0x109: {  	_ =	swait.ge [sflag:s11], $0x8000  }
0x10a: {  	[sflag:s11] =	ssyncset.done $0x0  }
0x10b: {  	[sflag:s11] =	ssyncadd.s32 $0xFFFF8000  }
0x10c: {  	[tilespmem:s9], [sflag:$0x3] =	stream.indirect.gather [hbm4b:s5+s8], $0x400, s20, s8, $0xb8;
	[tilespmem:$0x19200] =	vst v63  }
0x10d: {  	_ =	swait.ge [sflag:s15], $0x8000  }
0x10e: {  	[sflag:s15] =	ssyncset.done $0x0  }
0x10f: {  	s0 =	rddreg [dreg:$0xf];
	[sflag:s15] =	ssyncadd.s32 $0xFFFF8000  }
0x110: {  	[hbm4b:s0+s7] =	stream.strided.scatter [tilespmem:s12], [sflag:$0x5], $0x8000, s2, s7, $0x38;
	[tilespmem:$0x19200] =	vst v63  }
0x111: {  	_ =	swait.ge [sflag:s4], $0x8000  }
0x112: {  	[sflag:s4] =	ssyncset.done $0x0  }
0x113: {  	[sflag:s4] =	ssyncadd.s32 $0xFFFF8000  }
0x114: {  	[tilespmem:s3], [sflag:$0x1] =	stream.indirect.gather [hbm4b:s5+s8], $0x400, s19, s8, $0xb8;
	[tilespmem:$0x19200] =	vst v63  }
0x115: {  	_ =	swait.ge [sflag:s13], $0x8000  }
0x116: {  	[sflag:s13] =	ssyncset.done $0x0  }
0x117: {  	s0 =	rddreg [dreg:$0x10];
	[sflag:s13] =	ssyncadd.s32 $0xFFFF8000  }
0x118: {  	[hbm4b:s0+s7] =	stream.strided.scatter [tilespmem:s9], [sflag:$0x6], $0x8000, s2, s7, $0x38;
	[tilespmem:$0x19200] =	vst v63  }
0x119: {  	_ =	swait.ge [sflag:s10], $0x8000  }
0x11a: {  	[sflag:s10] =	ssyncset.done $0x0  }
0x11b: {  	[sflag:s10] =	ssyncadd.s32 $0xFFFF8000  }
0x11c: {  	[tilespmem:s12], [sflag:$0x2] =	stream.indirect.gather [hbm4b:s5+s8], $0x400, s18, s8, $0xb8;
	[tilespmem:$0x19200] =	vst v63  }
0x11d: {  	_ =	swait.ge [sflag:s6], $0x8000  }
0x11e: {  	[sflag:s6] =	ssyncset.done $0x0  }
0x11f: {  	s0 =	rddreg [dreg:$0x11];
	[sflag:s6] =	ssyncadd.s32 $0xFFFF8000  }
0x120: {  	[hbm4b:s0+s7] =	stream.strided.scatter [tilespmem:s3], [sflag:$0x4], $0x8000, s2, s7, $0x38;
	[tilespmem:$0x19200] =	vst v63  }
0x121: {  	_ =	swait.ge [sflag:s11], $0x8000  }
0x122: {  	[sflag:s11] =	ssyncset.done $0x0  }
0x123: {  	[sflag:s11] =	ssyncadd.s32 $0xFFFF8000  }
0x124: {  	[tilespmem:s9], [sflag:$0x3] =	stream.indirect.gather [hbm4b:s5+s8], $0x400, s17, s8, $0xb8;
	[tilespmem:$0x19200] =	vst v63  }
0x125: {  	_ =	swait.ge [sflag:s15], $0x8000  }
0x126: {  	[sflag:s15] =	ssyncset.done $0x0  }
0x127: {  	s0 =	rddreg [dreg:$0x12];
	[sflag:s15] =	ssyncadd.s32 $0xFFFF8000  }
0x128: {  	[hbm4b:s0+s7] =	stream.strided.scatter [tilespmem:s12], [sflag:$0x5], $0x8000, s2, s7, $0x38;
	[tilespmem:$0x19200] =	vst v63  }
0x129: {  	_ =	swait.ge [sflag:s4], $0x8000  }
0x12a: {  	[sflag:s4] =	ssyncset.done $0x0  }
0x12b: {  	[sflag:s4] =	ssyncadd.s32 $0xFFFF8000  }
0x12c: {  	[tilespmem:s3], [sflag:$0x1] =	stream.indirect.gather [hbm4b:s5+s8], $0x400, s16, s8, $0xb8;
	[tilespmem:$0x19200] =	vst v63  }
0x12d: {  	_ =	swait.ge [sflag:s13], $0x8000  }
0x12e: {  	[sflag:s13] =	ssyncset.done $0x0  }
0x12f: {  	s0 =	rddreg [dreg:$0x13];
	[sflag:s13] =	ssyncadd.s32 $0xFFFF8000  }
0x130: {  	[hbm4b:s0+s7] =	stream.strided.scatter [tilespmem:s9], [sflag:$0x6], $0x8000, s2, s7, $0x38;
	[tilespmem:$0x19200] =	vst v63  }
0x131: {  	_ =	swait.ge [sflag:s6], $0x8000  }
0x132: {  	[sflag:s6] =	ssyncset.done $0x0  }
0x133: {  	s0 =	rddreg [dreg:$0x14];
	[sflag:s6] =	ssyncadd.s32 $0xFFFF8000  }
0x134: {  	[hbm4b:s0+s7] =	stream.strided.scatter [tilespmem:s3], [sflag:$0x4], $0x8000, s2, s7, $0x38;
	[tilespmem:$0x19200] =	vst v63  }
0x135: {  	_ =	swait.ge [sflag:s10], $0x8000  }
0x136: {  	[sflag:s10] =	ssyncset.done $0x0  }
0x137: {  	[sflag:s10] =	ssyncadd.s32 $0xFFFF8000  }
0x138: {  	_ =	swait.ge [sflag:s11], $0x8000  }
0x139: {  	[sflag:s11] =	ssyncset.done $0x0  }
0x13a: {  	p1 =	sne.s32 s1, $0x1;
	[sflag:s11] =	ssyncadd.s32 $0xFFFF8000  }
.Ltmp2:
0x13b: {  	_ =	swait.ge [sflag:s4], $0x8000;
	(pc) =	sbr.rel @p1 .LBB2_2-.Ltmp2, $4  }
0x13c: {  	[sflag:s4] =	ssyncset.done $0x0  }
0x13d: {  	[sflag:s4] =	ssyncadd.s32 $0xFFFF8000  }
0x13e: {  	_ =	swait.ge [sflag:s14], $0x1000  }
0x13f: {  	s1 =	sadd.s32 $0xFFFFFFFF, s1;
	s0 =	rddreg [dreg:$0x3];
	[sflag:s14] =	ssyncset.done $0x0  }
.LBB2_3:
0x140: {  	[sflag:s14] =	ssyncadd.s32 @p0 $0xFFFFF000  }
0x141: {  	[tilespmem:s22], [sflag:$0x8] =	stream.linear.gather [hbm4b:s0+s22], $0x200, $0x38;
	[tilespmem:$0x19200] =	vst v63  }
0x142: {  	_ =	swait.ge [sflag:s30], $0x200  }
0x143: {  	[sflag:s30] =	ssyncset.done $0x0  }
0x144: {  	s1 =	rddreg [dreg:$0x4];
	[sflag:s30] =	ssyncadd.s32 $0xFFFFFE00  }
0x145: {  	[tilespmem:s31], [sflag:$0x8] =	stream.linear.gather [hbm4b:s1+s22], $0x1000, $0x38;
	[tilespmem:$0x19200] =	vst v63  }
0x146: {  	_ =	swait.ge [sflag:s30], $0x1000  }
0x147: {  	[sflag:s30] =	ssyncset.done $0x0  }
0x148: {  	s1 =	rddreg [dreg:$0x5];
	[sflag:s30] =	ssyncadd.s32 $0xFFFFF000  }
0x149: {  	[hbm4b:s1+s30] =	stream.strided.scatter [tilespmem:s31], [sflag:$0x7], $0x1000, s2, s30, $0x38;
	[tilespmem:$0x19200] =	vst v63  }
0x14a: {  	_ = 	snop  }
0x14b: {  	[tilespmem:s3], [sflag:$0x1] =	stream.indirect.gather [hbm4b:s5+s8], $0x400, s22, s8, $0xb8;
	[tilespmem:$0x19200] =	vst v63  }
0x14c: {  	_ = 	snop  }
0x14d: {  	[tilespmem:s12], [sflag:$0x2] =	stream.indirect.gather [hbm4b:s5+s8], $0x400, s8, s8, $0xb8;
	[tilespmem:$0x19200] =	vst v63  }
0x14e: {  	s22 =	rddreg [dreg:$0x15]  }
0x14f: {  	[tilespmem:s9], [sflag:$0x3] =	stream.indirect.gather [hbm4b:s5+s8], $0x400, s22, s8, $0xb8;
	[tilespmem:$0x19200] =	vst v63  }
0x150: {  	_ =	swait.ge [sflag:s6], $0x8000  }
0x151: {  	[sflag:s6] =	ssyncset.done $0x0  }
0x152: {  	[sflag:s6] =	ssyncadd.s32 $0xFFFF8000  }
0x153: {  	[hbm4b:s23+s7] =	stream.strided.scatter [tilespmem:s3], [sflag:$0x4], $0x8000, s2, s7, $0x38;
	[tilespmem:$0x19200] =	vst v63  }
0x154: {  	_ =	swait.ge [sflag:s15], $0x8000  }
0x155: {  	[sflag:s15] =	ssyncset.done $0x0  }
0x156: {  	s30 =	rddreg [dreg:$0x6];
	[sflag:s15] =	ssyncadd.s32 $0xFFFF8000  }
0x157: {  	[hbm4b:s30+s7] =	stream.strided.scatter [tilespmem:s12], [sflag:$0x5], $0x8000, s2, s7, $0x38;
	[tilespmem:$0x19200] =	vst v63  }
0x158: {  	_ =	swait.ge [sflag:s4], $0x8000  }
0x159: {  	[sflag:s4] =	ssyncset.done $0x0  }
0x15a: {  	s31 =	rddreg [dreg:$0x16];
	[sflag:s4] =	ssyncadd.s32 $0xFFFF8000  }
0x15b: {  	[tilespmem:s3], [sflag:$0x1] =	stream.indirect.gather [hbm4b:s5+s8], $0x400, s31, s8, $0xb8;
	[tilespmem:$0x19200] =	vst v63  }
0x15c: {  	_ =	swait.ge [sflag:s13], $0x8000  }
0x15d: {  	[sflag:s13] =	ssyncset.done $0x0  }
0x15e: {  	s1 =	rddreg [dreg:$0x7];
	[sflag:s13] =	ssyncadd.s32 $0xFFFF8000  }
0x15f: {  	[hbm4b:s1+s7] =	stream.strided.scatter [tilespmem:s9], [sflag:$0x6], $0x8000, s2, s7, $0x38;
	[tilespmem:$0x19200] =	vst v63  }
0x160: {  	_ =	swait.ge [sflag:s10], $0x8000  }
0x161: {  	[sflag:s10] =	ssyncset.done $0x0  }
0x162: {  	s22 =	rddreg [dreg:$0x17];
	[sflag:s10] =	ssyncadd.s32 $0xFFFF8000  }
0x163: {  	[tilespmem:s12], [sflag:$0x2] =	stream.indirect.gather [hbm4b:s5+s8], $0x400, s22, s8, $0xb8;
	[tilespmem:$0x19200] =	vst v63  }
0x164: {  	_ =	swait.ge [sflag:s6], $0x8000  }
0x165: {  	[sflag:s6] =	ssyncset.done $0x0  }
0x166: {  	s23 =	rddreg [dreg:$0x8];
	[sflag:s6] =	ssyncadd.s32 $0xFFFF8000  }
0x167: {  	[hbm4b:s23+s7] =	stream.strided.scatter [tilespmem:s3], [sflag:$0x4], $0x8000, s2, s7, $0x38;
	[tilespmem:$0x19200] =	vst v63  }
0x168: {  	_ =	swait.ge [sflag:s11], $0x8000  }
0x169: {  	[sflag:s11] =	ssyncset.done $0x0  }
0x16a: {  	[sflag:s11] =	ssyncadd.s32 $0xFFFF8000  }
0x16b: {  	[tilespmem:s9], [sflag:$0x3] =	stream.indirect.gather [hbm4b:s5+s8], $0x400, s29, s8, $0xb8;
	[tilespmem:$0x19200] =	vst v63  }
0x16c: {  	_ =	swait.ge [sflag:s15], $0x8000  }
0x16d: {  	[sflag:s15] =	ssyncset.done $0x0  }
0x16e: {  	s29 =	rddreg [dreg:$0x9];
	[sflag:s15] =	ssyncadd.s32 $0xFFFF8000  }
0x16f: {  	[hbm4b:s29+s7] =	stream.strided.scatter [tilespmem:s12], [sflag:$0x5], $0x8000, s2, s7, $0x38;
	[tilespmem:$0x19200] =	vst v63  }
0x170: {  	_ =	swait.ge [sflag:s4], $0x8000  }
0x171: {  	[sflag:s4] =	ssyncset.done $0x0  }
0x172: {  	[sflag:s4] =	ssyncadd.s32 $0xFFFF8000  }
0x173: {  	[tilespmem:s3], [sflag:$0x1] =	stream.indirect.gather [hbm4b:s5+s8], $0x400, s28, s8, $0xb8;
	[tilespmem:$0x19200] =	vst v63  }
0x174: {  	_ =	swait.ge [sflag:s13], $0x8000  }
0x175: {  	[sflag:s13] =	ssyncset.done $0x0  }
0x176: {  	s30 =	rddreg [dreg:$0xa];
	[sflag:s13] =	ssyncadd.s32 $0xFFFF8000  }
0x177: {  	[hbm4b:s30+s7] =	stream.strided.scatter [tilespmem:s9], [sflag:$0x6], $0x8000, s2, s7, $0x38;
	[tilespmem:$0x19200] =	vst v63  }
0x178: {  	_ =	swait.ge [sflag:s10], $0x8000  }
0x179: {  	[sflag:s10] =	ssyncset.done $0x0  }
0x17a: {  	[sflag:s10] =	ssyncadd.s32 $0xFFFF8000  }
0x17b: {  	[tilespmem:s12], [sflag:$0x2] =	stream.indirect.gather [hbm4b:s5+s8], $0x400, s26, s8, $0xb8;
	[tilespmem:$0x19200] =	vst v63  }
0x17c: {  	_ =	swait.ge [sflag:s6], $0x8000  }
0x17d: {  	[sflag:s6] =	ssyncset.done $0x0  }
0x17e: {  	s31 =	rddreg [dreg:$0xb];
	[sflag:s6] =	ssyncadd.s32 $0xFFFF8000  }
0x17f: {  	[hbm4b:s31+s7] =	stream.strided.scatter [tilespmem:s3], [sflag:$0x4], $0x8000, s2, s7, $0x38;
	[tilespmem:$0x19200] =	vst v63  }
0x180: {  	_ =	swait.ge [sflag:s11], $0x8000  }
0x181: {  	[sflag:s11] =	ssyncset.done $0x0  }
0x182: {  	[sflag:s11] =	ssyncadd.s32 $0xFFFF8000  }
0x183: {  	[tilespmem:s9], [sflag:$0x3] =	stream.indirect.gather [hbm4b:s5+s8], $0x400, s25, s8, $0xb8;
	[tilespmem:$0x19200] =	vst v63  }
0x184: {  	_ =	swait.ge [sflag:s15], $0x8000  }
0x185: {  	[sflag:s15] =	ssyncset.done $0x0  }
0x186: {  	s1 =	rddreg [dreg:$0xc];
	[sflag:s15] =	ssyncadd.s32 $0xFFFF8000  }
0x187: {  	[hbm4b:s1+s7] =	stream.strided.scatter [tilespmem:s12], [sflag:$0x5], $0x8000, s2, s7, $0x38;
	[tilespmem:$0x19200] =	vst v63  }
0x188: {  	_ =	swait.ge [sflag:s4], $0x8000  }
0x189: {  	[sflag:s4] =	ssyncset.done $0x0  }
0x18a: {  	[sflag:s4] =	ssyncadd.s32 $0xFFFF8000  }
0x18b: {  	[tilespmem:s3], [sflag:$0x1] =	stream.indirect.gather [hbm4b:s5+s8], $0x400, s24, s8, $0xb8;
	[tilespmem:$0x19200] =	vst v63  }
0x18c: {  	_ =	swait.ge [sflag:s13], $0x8000  }
0x18d: {  	[sflag:s13] =	ssyncset.done $0x0  }
0x18e: {  	s22 =	rddreg [dreg:$0xd];
	[sflag:s13] =	ssyncadd.s32 $0xFFFF8000  }
0x18f: {  	[hbm4b:s22+s7] =	stream.strided.scatter [tilespmem:s9], [sflag:$0x6], $0x8000, s2, s7, $0x38;
	[tilespmem:$0x19200] =	vst v63  }
0x190: {  	_ =	swait.ge [sflag:s10], $0x8000  }
0x191: {  	[sflag:s10] =	ssyncset.done $0x0  }
0x192: {  	[sflag:s10] =	ssyncadd.s32 $0xFFFF8000  }
0x193: {  	[tilespmem:s12], [sflag:$0x2] =	stream.indirect.gather [hbm4b:s5+s8], $0x400, s21, s8, $0xb8;
	[tilespmem:$0x19200] =	vst v63  }
0x194: {  	_ =	swait.ge [sflag:s6], $0x8000  }
0x195: {  	[sflag:s6] =	ssyncset.done $0x0  }
0x196: {  	s23 =	rddreg [dreg:$0xe];
	[sflag:s6] =	ssyncadd.s32 $0xFFFF8000  }
0x197: {  	[hbm4b:s23+s7] =	stream.strided.scatter [tilespmem:s3], [sflag:$0x4], $0x8000, s2, s7, $0x38;
	[tilespmem:$0x19200] =	vst v63  }
0x198: {  	_ =	swait.ge [sflag:s11], $0x8000  }
0x199: {  	[sflag:s11] =	ssyncset.done $0x0  }
0x19a: {  	[sflag:s11] =	ssyncadd.s32 $0xFFFF8000  }
0x19b: {  	[tilespmem:s9], [sflag:$0x3] =	stream.indirect.gather [hbm4b:s5+s8], $0x400, s20, s8, $0xb8;
	[tilespmem:$0x19200] =	vst v63  }
0x19c: {  	_ =	swait.ge [sflag:s15], $0x8000  }
0x19d: {  	[sflag:s15] =	ssyncset.done $0x0  }
0x19e: {  	s24 =	rddreg [dreg:$0xf];
	[sflag:s15] =	ssyncadd.s32 $0xFFFF8000  }
0x19f: {  	[hbm4b:s24+s7] =	stream.strided.scatter [tilespmem:s12], [sflag:$0x5], $0x8000, s2, s7, $0x38;
	[tilespmem:$0x19200] =	vst v63  }
0x1a0: {  	_ =	swait.ge [sflag:s4], $0x8000  }
0x1a1: {  	[sflag:s4] =	ssyncset.done $0x0  }
0x1a2: {  	[sflag:s4] =	ssyncadd.s32 $0xFFFF8000  }
0x1a3: {  	[tilespmem:s3], [sflag:$0x1] =	stream.indirect.gather [hbm4b:s5+s8], $0x400, s19, s8, $0xb8;
	[tilespmem:$0x19200] =	vst v63  }
0x1a4: {  	_ =	swait.ge [sflag:s13], $0x8000  }
0x1a5: {  	[sflag:s13] =	ssyncset.done $0x0  }
0x1a6: {  	s25 =	rddreg [dreg:$0x10];
	[sflag:s13] =	ssyncadd.s32 $0xFFFF8000  }
0x1a7: {  	[hbm4b:s25+s7] =	stream.strided.scatter [tilespmem:s9], [sflag:$0x6], $0x8000, s2, s7, $0x38;
	[tilespmem:$0x19200] =	vst v63  }
0x1a8: {  	_ =	swait.ge [sflag:s10], $0x8000  }
0x1a9: {  	[sflag:s10] =	ssyncset.done $0x0  }
0x1aa: {  	[sflag:s10] =	ssyncadd.s32 $0xFFFF8000  }
0x1ab: {  	[tilespmem:s12], [sflag:$0x2] =	stream.indirect.gather [hbm4b:s5+s8], $0x400, s18, s8, $0xb8;
	[tilespmem:$0x19200] =	vst v63  }
0x1ac: {  	_ =	swait.ge [sflag:s6], $0x8000  }
0x1ad: {  	[sflag:s6] =	ssyncset.done $0x0  }
0x1ae: {  	s26 =	rddreg [dreg:$0x11];
	[sflag:s6] =	ssyncadd.s32 $0xFFFF8000  }
0x1af: {  	[hbm4b:s26+s7] =	stream.strided.scatter [tilespmem:s3], [sflag:$0x4], $0x8000, s2, s7, $0x38;
	[tilespmem:$0x19200] =	vst v63  }
0x1b0: {  	_ =	swait.ge [sflag:s11], $0x8000  }
0x1b1: {  	[sflag:s11] =	ssyncset.done $0x0  }
0x1b2: {  	[sflag:s11] =	ssyncadd.s32 $0xFFFF8000  }
0x1b3: {  	[tilespmem:s9], [sflag:$0x3] =	stream.indirect.gather [hbm4b:s5+s8], $0x400, s17, s8, $0xb8;
	[tilespmem:$0x19200] =	vst v63  }
0x1b4: {  	_ =	swait.ge [sflag:s15], $0x8000  }
0x1b5: {  	[sflag:s15] =	ssyncset.done $0x0  }
0x1b6: {  	s28 =	rddreg [dreg:$0x12];
	[sflag:s15] =	ssyncadd.s32 $0xFFFF8000  }
0x1b7: {  	[hbm4b:s28+s7] =	stream.strided.scatter [tilespmem:s12], [sflag:$0x5], $0x8000, s2, s7, $0x38;
	[tilespmem:$0x19200] =	vst v63  }
0x1b8: {  	_ =	swait.ge [sflag:s4], $0x8000  }
0x1b9: {  	[sflag:s4] =	ssyncset.done $0x0  }
0x1ba: {  	[sflag:s4] =	ssyncadd.s32 $0xFFFF8000  }
0x1bb: {  	[tilespmem:s3], [sflag:$0x1] =	stream.indirect.gather [hbm4b:s5+s8], $0x400, s16, s8, $0xb8;
	[tilespmem:$0x19200] =	vst v63  }
0x1bc: {  	_ =	swait.ge [sflag:s13], $0x8000  }
0x1bd: {  	[sflag:s13] =	ssyncset.done $0x0  }
0x1be: {  	s29 =	rddreg [dreg:$0x13];
	[sflag:s13] =	ssyncadd.s32 $0xFFFF8000  }
0x1bf: {  	[hbm4b:s29+s7] =	stream.strided.scatter [tilespmem:s9], [sflag:$0x6], $0x8000, s2, s7, $0x38;
	[tilespmem:$0x19200] =	vst v63  }
0x1c0: {  	_ =	swait.ge [sflag:s6], $0x8000  }
0x1c1: {  	[sflag:s6] =	ssyncset.done $0x0  }
0x1c2: {  	s30 =	rddreg [dreg:$0x14];
	[sflag:s6] =	ssyncadd.s32 $0xFFFF8000  }
0x1c3: {  	[hbm4b:s30+s7] =	stream.strided.scatter [tilespmem:s3], [sflag:$0x4], $0x8000, s2, s7, $0x38;
	[tilespmem:$0x19200] =	vst v63  }
0x1c4: {  	_ =	swait.ge [sflag:s10], $0x8000  }
0x1c5: {  	[sflag:s10] =	ssyncset.done $0x0  }
0x1c6: {  	[sflag:s10] =	ssyncadd.s32 $0xFFFF8000  }
0x1c7: {  	_ =	swait.ge [sflag:s11], $0x8000  }
0x1c8: {  	[sflag:s11] =	ssyncset.done $0x0  }
0x1c9: {  	[sflag:s11] =	ssyncadd.s32 $0xFFFF8000  }
0x1ca: {  	_ =	swait.ge [sflag:s4], $0x8000  }
0x1cb: {  	[sflag:s4] =	ssyncset.done $0x0  }
0x1cc: {  	[sflag:s4] =	ssyncadd.s32 $0xFFFF8000  }
0x1cd: {  	_ =	swait.ge [sflag:s14], $0x1000  }
0x1ce: {  	[sflag:s14] =	ssyncset.done $0x0  }
0x1cf: {  	[sflag:s14] =	ssyncadd.s32 $0xFFFFF000  }
0x1d0: {  	_ =	sfence.sel $0x180000  }
0x1d1: {  	[bflag:$0x0] =	sbarrier.arrive $0xFFFF  }
0x1d2: {  	_ =	strace $0x9000004A  }
0x1d3: {  	s31 =	stileid.u32;
	[bflag:$0x2] =	sbarrier.arrive $0xFFFF  }
0x1d4: {  	p0 =	sne.s32 s31, $0x0;
	s0 =	rddreg [dreg:$0x2]  }
0x1d5: {  	s0 =	sadd.s32 @!p0 $0x100000, s0  }
0x1d6: {  	[sflag:s0] =	ssyncadd.tile.s32 @!p0 $0x1;
	_ =	shalt  }
.Lfunc_end2:
_tile_overlayer_lowered:
.L_overlay_start_2:
0x1d7: {  	(tag) =	ssettag $0x2  }
0x1d8: {  	s0 =	rddreg [dreg:$0x0];
	s2 =	stileid.u32  }
0x1d9: {  	s1 =	rddreg [dreg:$0x1];
	p0 =	sne.s32 s2, $0x0  }
0x1da: {  	s3 =	rddreg [dreg:$0x2];
	[bflag:$0x3] =	sbarrier.arrive $0xFFFF;
	s2 =	simm.s32 @!p0 $0x1C08  }
0x1db: {  	[timem:s3], [sflag:s2] =	dma.local @!p0 [hbm:s0], s1  }
0x1dc: {  	s0 =	simm.s32 @!p0 $0x8  }
0x1dd: {  	_ =	swait.ge @!p0 [sflag:s0], s1  }
0x1de: {  	s1 =	ssub.s32 @!p0 $0x0, s1;
	[sflag:s0] =	ssyncset.done @!p0 $0x0  }
0x1df: {  	[sflag:s0] =	ssyncadd.s32 @!p0 s1  }
0x1e0: {  	[bflag:$0x3] =	sbarrier.arrive $0xFFFF  }
0x1e1: {  	_ =	shalt  }

// kernel: sparse-core-data-format-call.1.cloned.1.call-start
scs
called_computation.1_lowered:
.L_overlay_start_0:
0x0: {  	s2 =	sld [smem:$0x3FD9]  }
0x1: {  	s3 =	sld [smem:$0x3FFE];
	_ =	sdelay $0x1  }
0x2: {  	s1 =	srdreg.scid  }
0x3: {  	s0 =	sand.u32 $0x1, s1  }
0x4: {  	s18 =	sshll.u32 s0, $0xA;
	s2 =	sadd.s32 s3, s2  }
0x5: {  	s2 =	sadd.s32 s2, s18  }
0x6: {  	[smem:$0x3FC5] =	sst s2  }
0x7: {  	_ = 	snop  }
0x8: {  	s2 =	sld [smem:$0x3FC7];
	(tm) =	ssettm $0x1  }
0x9: {  	s19 =	sld [smem:$0x3FFB];
	_ =	sdelay $0x3  }
0xa: {  	_ =	strace s19  }
0xb: {  	s3 =	sld [smem:$0x3FFC];
	_ =	sdelay $0x3  }
0xc: {  	_ =	strace s3  }
0xd: {  	s3 =	sld [smem:$0x3FFD];
	_ =	sdelay $0x3  }
0xe: {  	_ =	strace s3  }
0xf: {  	_ =	strace $0x8FFFFFFF  }
0x10: {  	s20 =	sld [smem:$0x3FDB];
	_ =	sdelay $0x1  }
0x11: {  	s4 =	simm.s32 $_scs_section_size  }
0x12: {  	s5 =	simm.s32 $_size__tile_overlayer_lowered;
	s6 =	simm.s32 $_tile_overlayer_lowered  }
0x13: {  	s23 =	simm.s32 $0x1BFF;
	s22 =	sshll.u32 s6, $0x1;
	s3 =	sadd.s32 s4, s20  }
0x14: {  	s7 =	simm.s32 $0x0;
	s21 =	sshll.u32 s5, $0x1;
	s5 =	sadd.s32 s22, s3  }
0x15: {  	[timem:s7], [sflag:s23] =	dma.local [hbm:s5], s21  }
0x16: {  	_ =	swait.ge [sflag:s23], s21  }
0x17: {  	s4 =	ssub.s32 $0x0, s21;
	[sflag:s23] =	ssyncset.done $0x0  }
0x18: {  	[sflag:s23] =	ssyncadd.s32 s4;
	_ =	sdelay $0x1  }
0x19: {  	s24 =	simm.s32 $0x1B8B  }
0x1a: {  	_ =	swait.ge [sflag:s24], $0x1  }
0x1b: {  	[sflag:s24] =	ssyncset.done $0x0  }
0x1c: {  	s26 =	simm.s32 $0x1B8E;
	s25 =	sld [smem:$0x3FFE];
	[sflag:s24] =	ssyncadd.s32 $0xFFFFFFFF  }
0x1d: {  	s27 =	simm.s32 $execute0_lowered;
	[smem:$0x3FD2] =	sst s26  }
0x1e: {  	s5 =	sshll.u32 s27, $0x1;
	_ =	strace $0x80000046;
	[dreg:$0x1] =	wrdreg $0xFFFFFFFF  }
0x1f: {  	s28 =	simm.s32 $_size_execute0_lowered;
	s3 =	sadd.s32 s3, s5;
	[dreg:$0x0] =	wrdreg $0x0  }
0x20: {  	s5 =	sshll.u32 s28, $0x1;
	[dreg:$0x2] =	wrdreg s3  }
0x21: {  	[dreg:$0x3] =	wrdreg s5  }
0x22: {  	[dreg:$0x4] =	wrdreg $0xC0  }
0x23: {  	_ =	task [dreg:s7], $0x5FFFF  }
0x24: {  	[dreg:$0x1] =	wrdreg $0xFFFFFFFF  }
0x25: {  	[dreg:$0x0] =	wrdreg $0x60  }
0x26: {  	[dreg:$0x2] =	wrdreg s2  }
0x27: {  	[dreg:$0x3] =	wrdreg s25  }
0x28: {  	[dreg:$0x4] =	wrdreg $0x9  }
0x29: {  	_ =	task.clear_ibuf [dreg:s7], $0x5FFFF;
	_ =	strace $0x90000046  }
0x2a: {  	s29 =	simm.s32 $0x9;
	_ =	strace $0x80000048  }
0x2b: {  	_ =	swait.ge [sflag:s29], $0x1  }
0x2c: {  	[sflag:s29] =	ssyncadd.s32 $0xFFFFFFFF  }
0x2d: {  	_ =	strace $0x90000048  }
0x2e: {  	_ =	sfence  }
0x2f: {  	s30 =	sld [smem:$0x0];
	_ =	sdelay $0x2  }
0x30: {  	s31 =	sshll.u32 s1, $0xD;
	s1 =	sshrl.u32 s1, $0x2  }
0x31: {  	s3 =	sand.u32 $0x4000, s31;
	s1 =	sadd.s32 s1, s30  }
0x32: {  	s0 =	sor.u32 s3, s0;
	s1 =	sshll.u32 s1, $0x11  }
0x33: {  	s0 =	sor.u32 s1, s0  }
0x34: {  	s0 =	sadd.s32 $0x8F2B, s0  }
0x35: {  	[sflag:s0] =	ssyncadd.remote.s32 $0x1  }
0x36: {  	_ =	sfence.sel $0xFFFF  }
0x37: {  	[dreg:$0x0] =	wrdreg $0xFFFFFFFF;
	(pc) =	sbr.abs _section_cstart, $3  }
0x38: {  	[dreg:$0x1] =	wrdreg $0xFFFFFFFF  }
0x39: {  	_ =	task.clear_ibuf [dreg:s7], $0x2FFFF;
	_ =	strace $0x9FFFFFFF  }
0x3a: {  	(tm) =	ssettm $0x7FFFFFFF  }
0x3b: {  	_ =	shalt  }
tec
execute0_lowered:
.L_overlay_start_1:
0x0: {  	(tag) =	ssettag $0x1  }
0x1: {  	s0 =	srdreg.scid  }
0x2: {  	s1 =	sshll.u32 s0, $0x4  }
0x3: {  	s2 =	rddreg [dreg:$0x0];
	s0 =	stileid.u32;
	s1 =	sand.u32 $0x10, s1  }
0x4: {  	s4 =	rddreg [dreg:$0x1];
	s7 =	simm.s32 $0x1;
	s1 =	sor.u32 s0, s1  }
0x5: {  	s8 =	simm.s32 $0x2;
	s9 =	simm.s32 $0x0;
	s3 =	sshll.u32 s1, $0x1  }
0x6: {  	s12 =	simm.s32 $0x0;
	s11 =	simm.s32 $0x0;
	s6 =	ssub.s32 $0x30D4, s3  }
.Ltmp0:
0x7: {  	s4 =	sadd.s32 $0x1000, s4;
	s5 =	sand.u32 $0x3E, s6;
	(pc) =	sbr.rel .LBB1_1-.Ltmp0, $4  }
0x8: {  	s1 =	rddreg [dreg:$0x2];
	_ =	strace $0x80000047;
	p0 =	sne.s32 s5, $0x0  }
0x9: {  	s6 =	sshrl.u32 s6, $0x6;
	s5 =	simm.s32 $0x1;
	s7 =	simm.s32 @!p0 $0x0  }
0xa: {  	s10 =	smov.u32 s3;
	[sflag:s5] =	ssyncpa.u1 $0x0;
	s6 =	sadd.s32 s7, s6  }
0xb: {  	[sflag:s8] =	ssyncpa.u1 $0x0;
	s8 =	simm.s32 $0x0;
	s7 =	sadd.s32 $0x1, s6  }
.LBB1_9:
0xc: {  	s14 =	sadd.s32 $0x40, s10  }
0xd: {  	p1 =	sgt.s32 s14, $0x30D3  }
0xe: {  	s14 =	smov.u32 @p1 s3;
	p1 =	sne.s32 s11, s7  }
.Ltmp1:
0xf: {  	p0 =	slt.u32 s11, $0x2;
	(pc) =	sbr.rel @!p1 .LBB1_10-.Ltmp1, $4  }
0x10: {  	s13 =	simm.s32 @!p0 $0x2  }
0x11: {  	s15 =	sadd.s32 $0x1, s11;
	_ =	swait.ge @!p0 [sflag:s13], $0x4000  }
0x12: {  	s12 =	smov.u32 s10;
	s9 =	sadd.s32 $0x4000, s9;
	[sflag:s13] =	ssyncset.done @!p0 $0x0  }
0x13: {  	s11 =	smov.u32 s15;
	s10 =	smov.u32 s14;
	[sflag:s13] =	ssyncadd.s32 @!p0 $0xFFFFC000  }
.LBB1_1:
0x14: {  	p0 =	sge.u32 s11, s6  }
0x15: {  	s13 =	sxor.u32 @!p0 $0xFFFFFFFF, s11  }
0x16: {  	s31 =	sadd.s32 $0xFFFFFFFF, s11;
	s14 =	sshll.u32 @!p0 s10, $0xA;
	s13 =	sshll.u32 @!p0 s13, $0xE  }
0x17: {  	s15 =	simm.s32 @!p0 $0x0;
	s14 =	sadd.s32 @!p0 s2, s14;
	s13 =	sand.u32 @!p0 $0x4000, s13  }
0x18: {  	[tilespmem:s13], [sflag:$0x1] =	stream.linear.gather @!p0 [hbm4b:s14+s15], $0x4000, $0x38;
	[tilespmem:$0x10000] =	vst v63  }
0x19: {  	p0 =	sge.u32 s31, s6  }
.Ltmp2:
0x1a: {  	_ = 	snop;
	(pc) =	sbr.rel @p0 .LBB1_9-.Ltmp2, $1  }
0x1b: {  	_ =	sdelay $0x3  }
0x1c: {  	s13 =	sshll.u32 s9, $0x2  }
0x1d: {  	_ =	swait.ge [sflag:s5], $0x4000;
	s14 =	sshll.u32 s11, $0xE;
	s16 =	simm.s32 $0x0  }
0x1e: {  	p1 =	por $0x1, $0x1;
	s13 =	sand.u32 $0x10000, s13;
	[sflag:s5] =	ssyncset.done $0x0  }
0x1f: {  	s14 =	sand.u32 $0x4000, s14;
	s15 =	sshrl.u32 s13, $0x2;
	[sflag:s5] =	ssyncadd.s32 $0xFFFFC000  }
0x20: {  	s13 =	sor.u32 $0x8000, s14;
	s14 =	sadd.s32 $0x8040, s15;
	s15 =	sadd.s32 $0x40, s15  }
.LBB1_3:
0x21: {  	s16 =	sshll.u32 s16, $0x2  }
0x22: {  	p0 =	por p1, p1;
	s17 =	sshra.s32 s16, $0x2  }
0x23: {  	s18 =	simm.s32 $0x0;
	s16 =	sadd.s32 s17, s14;
	s17 =	sadd.s32 s17, s15  }
.LBB1_4:
0x24: {  	v0 =	vmov s17;
	_ =	sdelay $0x3  }
0x25: {  	s20 =	simm.s32 $0x0  }
0x26: {  	v6 =	vld.idx.msk [tilespmem:v0+s20+$0x30 ss:$0x1], $0xffff  }
0x27: {  	v7 =	vld.idx.msk [tilespmem:v0+s20+$0xFFFFFFC0 ss:$0x1], $0xffff  }
0x28: {  	v5 =	vld.idx.msk [tilespmem:v0+s20+$0xFFFFFFD0 ss:$0x1], $0xffff  }
0x29: {  	v4 =	vld.idx.msk [tilespmem:v0+s20+$0xFFFFFFE0 ss:$0x1], $0xffff  }
0x2a: {  	v3 =	vld.idx.msk [tilespmem:v0+s20+$0xFFFFFFF0 ss:$0x1], $0xffff  }
0x2b: {  	v1 =	vld.idx.msk [tilespmem:v0+s20+$0x0 ss:$0x1], $0xffff  }
0x2c: {  	v2 =	vld.idx.msk [tilespmem:v0+s20+$0x10 ss:$0x1], $0xffff;
	[tilespmem:s16+$0x30] =	vst v6  }
0x2d: {  	s19 =	simm.s32 $0x80;
	s21 =	simm.s32 $0x400;
	[tilespmem:s16+$0xFFFFFFC0] =	vst v7;
	v6 =	vld.idx.msk [tilespmem:v0+s20+$0x20 ss:$0x1], $0xffff;
	s20 =	smov.u32 s16  }
.LBB1_5:
0x2e: {  	p1 =	sne.s32 s21, $0xE00;
	v7 =	vld.idx.msk [tilespmem:v0+s19+$0x30 ss:$0x1], $0xffff;
	[tilespmem:s20+$0xFFFFFFD0] =	vst v5  }
0x2f: {  	v8 =	vld.idx.msk [tilespmem:v0+s19+$0xFFFFFFC0 ss:$0x1], $0xffff;
	[tilespmem:s20+$0xFFFFFFE0] =	vst v4  }
0x30: {  	v5 =	vld.idx.msk [tilespmem:v0+s19+$0xFFFFFFD0 ss:$0x1], $0xffff;
	[tilespmem:s20+$0xFFFFFFF0] =	vst v3  }
.Ltmp3:
0x31: {  	v4 =	vld.idx.msk [tilespmem:v0+s19+$0xFFFFFFE0 ss:$0x1], $0xffff;
	[tilespmem:s20+$0x0] =	vst v1;
	(pc) =	sbr.rel @p1 .LBB1_5-.Ltmp3, $4  }
0x32: {  	v3 =	vld.idx.msk [tilespmem:v0+s19+$0xFFFFFFF0 ss:$0x1], $0xffff;
	[tilespmem:s20+$0x10] =	vst v2  }
0x33: {  	v1 =	vld.idx.msk [tilespmem:v0+s19+$0x0 ss:$0x1], $0xffff;
	[tilespmem:s20+$0x20] =	vst v6;
	s20 =	sadd.s32 $0x400, s20  }
0x34: {  	v2 =	vld.idx.msk [tilespmem:v0+s19+$0x10 ss:$0x1], $0xffff;
	[tilespmem:s20+$0x30] =	vst v7  }
0x35: {  	[tilespmem:s20+$0xFFFFFFC0] =	vst v8;
	v6 =	vld.idx.msk [tilespmem:v0+s19+$0x20 ss:$0x1], $0xffff;
	s19 =	sshra.s32 s21, $0x2;
	s21 =	sadd.s32 $0x200, s21  }
0x36: {  	_ =	sdelay $0x2  }
0x37: {  	[tilespmem:s20+$0xFFFFFFD0] =	vst v5  }
0x38: {  	v56 =	vld.idx.msk [tilespmem:v0+s19+$0x30 ss:$0x1], $0xffff;
	[tilespmem:s20+$0xFFFFFFE0] =	vst v4  }
0x39: {  	v57 =	vld.idx.msk [tilespmem:v0+s19+$0xFFFFFFC0 ss:$0x1], $0xffff;
	[tilespmem:s20+$0xFFFFFFF0] =	vst v3  }
0x3a: {  	v58 =	vld.idx.msk [tilespmem:v0+s19+$0xFFFFFFD0 ss:$0x1], $0xffff;
	[tilespmem:s20+$0x0] =	vst v1  }
0x3b: {  	v59 =	vld.idx.msk [tilespmem:v0+s19+$0xFFFFFFE0 ss:$0x1], $0xffff;
	[tilespmem:s20+$0x10] =	vst v2  }
0x3c: {  	v60 =	vld.idx.msk [tilespmem:v0+s19+$0xFFFFFFF0 ss:$0x1], $0xffff;
	s31 =	sadd.s32 $0x400, s20;
	[tilespmem:s20+$0x20] =	vst v6  }
0x3d: {  	v61 =	vld.idx.msk [tilespmem:v0+s19+$0x0 ss:$0x1], $0xffff;
	[tilespmem:s31+$0x30] =	vst v56  }
0x3e: {  	v62 =	vld.idx.msk [tilespmem:v0+s19+$0x10 ss:$0x1], $0xffff;
	s18 =	sadd.s32 $0x1, s18;
	[tilespmem:s31+$0xFFFFFFC0] =	vst v57  }
0x3f: {  	v63 =	vld.idx.msk [tilespmem:v0+s19+$0x20 ss:$0x1], $0xffff;
	p1 =	sne.s32 s18, $0x8;
	[tilespmem:s31+$0xFFFFFFD0] =	vst v58  }
.Ltmp4:
0x40: {  	[tilespmem:s31+$0xFFFFFFE0] =	vst v59;
	(pc) =	sbr.rel @p1 .LBB1_4-.Ltmp4, $4  }
0x41: {  	[tilespmem:s31+$0xFFFFFFF0] =	vst v60  }
0x42: {  	[tilespmem:s31+$0x0] =	vst v61  }
0x43: {  	[tilespmem:s31+$0x10] =	vst v62  }
0x44: {  	s16 =	sadd.s32 $0x80, s16;
	s17 =	sadd.s32 $0x400, s17;
	[tilespmem:s31+$0x20] =	vst v63  }
.Ltmp5:
0x45: {  	(pc) =	sbr.rel @p0 .LBB1_3-.Ltmp5, $2  }
0x46: {  	_ =	sdelay $0x2  }
0x47: {  	s16 =	simm.s32 $0x2000;
	p1 =	por $0x0, $0x0  }
.Ltmp6:
0x48: {  	(pc) =	sbr.rel .LBB1_9-.Ltmp6, $4  }
0x49: {  	_ = 	snop  }
0x4a: {  	s12 =	sshll.u32 s12, $0xA  }
0x4b: {  	s12 =	sadd.s32 s4, s12  }
0x4c: {  	[hbm4b:s12+s8] =	stream.linear.scatter [tilespmem:s13], [sflag:$0x2], $0x4000, $0x38;
	[tilespmem:$0x10000] =	vst v63  }
.LBB1_10:
0x4d: {  	_ =	sfence.sel $0x180000  }
0x4e: {  	s2 =	simm.s32 $0x1;
	[bflag:$0x0] =	sbarrier.arrive $0xFFFF  }
0x4f: {  	s31 =	simm.s32 $0x2;
	[sflag:s2] =	ssyncpa.u1 $0x1  }
0x50: {  	[sflag:s31] =	ssyncpa.u1 $0x1  }
0x51: {  	p0 =	sne.s32 s0, $0x0;
	_ =	strace $0x90000047  }
0x52: {  	s0 =	sadd.s32 @!p0 $0x100000, s1;
	[bflag:$0x2] =	sbarrier.arrive $0xFFFF  }
0x53: {  	[sflag:s0] =	ssyncadd.tile.s32 @!p0 $0x1;
	_ =	shalt  }
.Lfunc_end1:
_tile_overlayer_lowered:
.L_overlay_start_2:
0x54: {  	(tag) =	ssettag $0x2  }
0x55: {  	s0 =	rddreg [dreg:$0x0];
	s2 =	stileid.u32  }
0x56: {  	s1 =	rddreg [dreg:$0x1];
	p0 =	sne.s32 s2, $0x0  }
0x57: {  	s3 =	rddreg [dreg:$0x2];
	[bflag:$0x3] =	sbarrier.arrive $0xFFFF;
	s2 =	simm.s32 @!p0 $0x1C01  }
0x58: {  	[timem:s3], [sflag:s2] =	dma.local @!p0 [hbm:s0], s1  }
0x59: {  	s0 =	simm.s32 @!p0 $0x1  }
0x5a: {  	_ =	swait.ge @!p0 [sflag:s0], s1  }
0x5b: {  	s1 =	ssub.s32 @!p0 $0x0, s1;
	[sflag:s0] =	ssyncset.done @!p0 $0x0  }
0x5c: {  	[sflag:s0] =	ssyncadd.s32 @!p0 s1  }
0x5d: {  	[bflag:$0x3] =	sbarrier.arrive $0xFFFF  }
0x5e: {  	_ =	shalt  }

// kernel: sparse-core-data-format-call.cloned.1.call-start
scs
called_computation_lowered:
.L_overlay_start_0:
0x0: {  	s2 =	sld [smem:$0x3FD9]  }
0x1: {  	s3 =	sld [smem:$0x3FFE];
	_ =	sdelay $0x1  }
0x2: {  	s1 =	srdreg.scid  }
0x3: {  	s0 =	sand.u32 $0x1, s1  }
0x4: {  	s18 =	sshll.u32 s0, $0xA;
	s2 =	sadd.s32 s3, s2  }
0x5: {  	s2 =	sadd.s32 s2, s18  }
0x6: {  	[smem:$0x3FC5] =	sst s2  }
0x7: {  	_ = 	snop  }
0x8: {  	s2 =	sld [smem:$0x3FD0];
	(tm) =	ssettm $0x1  }
0x9: {  	s19 =	sld [smem:$0x3FFB];
	_ =	sdelay $0x3  }
0xa: {  	_ =	strace s19  }
0xb: {  	s3 =	sld [smem:$0x3FFC];
	_ =	sdelay $0x3  }
0xc: {  	_ =	strace s3  }
0xd: {  	s3 =	sld [smem:$0x3FFD];
	_ =	sdelay $0x3  }
0xe: {  	_ =	strace s3  }
0xf: {  	_ =	strace $0x8FFFFFFF  }
0x10: {  	s20 =	sld [smem:$0x3FDB];
	_ =	sdelay $0x1  }
0x11: {  	s4 =	simm.s32 $_scs_section_size  }
0x12: {  	s5 =	simm.s32 $_size__tile_overlayer_lowered;
	s6 =	simm.s32 $_tile_overlayer_lowered  }
0x13: {  	s23 =	simm.s32 $0x1BFF;
	s22 =	sshll.u32 s6, $0x1;
	s3 =	sadd.s32 s4, s20  }
0x14: {  	s7 =	simm.s32 $0x0;
	s21 =	sshll.u32 s5, $0x1;
	s5 =	sadd.s32 s22, s3  }
0x15: {  	[timem:s7], [sflag:s23] =	dma.local [hbm:s5], s21  }
0x16: {  	_ =	swait.ge [sflag:s23], s21  }
0x17: {  	s4 =	ssub.s32 $0x0, s21;
	[sflag:s23] =	ssyncset.done $0x0  }
0x18: {  	[sflag:s23] =	ssyncadd.s32 s4;
	_ =	sdelay $0x1  }
0x19: {  	s24 =	simm.s32 $0x1B8B  }
0x1a: {  	_ =	swait.ge [sflag:s24], $0x1  }
0x1b: {  	[sflag:s24] =	ssyncset.done $0x0  }
0x1c: {  	s26 =	simm.s32 $0x1B8E;
	s25 =	sld [smem:$0x3FFE];
	[sflag:s24] =	ssyncadd.s32 $0xFFFFFFFF  }
0x1d: {  	s27 =	simm.s32 $execute0_lowered;
	[smem:$0x3FD2] =	sst s26  }
0x1e: {  	s5 =	sshll.u32 s27, $0x1;
	_ =	strace $0x8000004C;
	[dreg:$0x1] =	wrdreg $0xFFFFFFFF  }
0x1f: {  	s28 =	simm.s32 $_size_execute0_lowered;
	s3 =	sadd.s32 s3, s5;
	[dreg:$0x0] =	wrdreg $0x0  }
0x20: {  	s5 =	sshll.u32 s28, $0x1;
	[dreg:$0x2] =	wrdreg s3  }
0x21: {  	[dreg:$0x3] =	wrdreg s5  }
0x22: {  	[dreg:$0x4] =	wrdreg $0xC0  }
0x23: {  	_ =	task [dreg:s7], $0x5FFFF  }
0x24: {  	[dreg:$0x1] =	wrdreg $0xFFFFFFFF  }
0x25: {  	[dreg:$0x0] =	wrdreg $0x60  }
0x26: {  	[dreg:$0x2] =	wrdreg s25  }
0x27: {  	[dreg:$0x3] =	wrdreg s2  }
0x28: {  	[dreg:$0x4] =	wrdreg $0x9  }
0x29: {  	_ =	task.clear_ibuf [dreg:s7], $0x5FFFF;
	_ =	strace $0x9000004C  }
0x2a: {  	s29 =	simm.s32 $0x9;
	_ =	strace $0x8000004E  }
0x2b: {  	_ =	swait.ge [sflag:s29], $0x1  }
0x2c: {  	[sflag:s29] =	ssyncadd.s32 $0xFFFFFFFF  }
0x2d: {  	_ =	strace $0x9000004E  }
0x2e: {  	_ =	sfence  }
0x2f: {  	s30 =	sld [smem:$0x0];
	_ =	sdelay $0x2  }
0x30: {  	s31 =	sshll.u32 s1, $0xD;
	s1 =	sshrl.u32 s1, $0x2  }
0x31: {  	s3 =	sand.u32 $0x4000, s31;
	s1 =	sadd.s32 s1, s30  }
0x32: {  	s0 =	sor.u32 s3, s0;
	s1 =	sshll.u32 s1, $0x11  }
0x33: {  	s0 =	sor.u32 s1, s0  }
0x34: {  	s0 =	sadd.s32 $0x8F2B, s0  }
0x35: {  	[sflag:s0] =	ssyncadd.remote.s32 $0x1  }
0x36: {  	_ =	sfence.sel $0xFFFF  }
0x37: {  	[dreg:$0x0] =	wrdreg $0xFFFFFFFF;
	(pc) =	sbr.abs _section_cstart, $3  }
0x38: {  	[dreg:$0x1] =	wrdreg $0xFFFFFFFF  }
0x39: {  	_ =	task.clear_ibuf [dreg:s7], $0x2FFFF;
	_ =	strace $0x9FFFFFFF  }
0x3a: {  	(tm) =	ssettm $0x7FFFFFFF  }
0x3b: {  	_ =	shalt  }
tec
execute0_lowered:
.L_overlay_start_1:
0x0: {  	(tag) =	ssettag $0x1  }
0x1: {  	s0 =	stileid.u32;
	s5 =	rddreg [dreg:$0x0]  }
0x2: {  	s1 =	srdreg.scid;
	s3 =	rddreg [dreg:$0x1];
	s6 =	simm.s32 $0x1  }
0x3: {  	s8 =	simm.s32 $0x2;
	s2 =	sshll.u32 s0, $0x5;
	s1 =	sshll.u32 s1, $0x9  }
0x4: {  	s18 =	simm.s32 $0x0;
	s9 =	simm.s32 $0x4000;
	s1 =	sor.u32 s2, s1  }
0x5: {  	s17 =	simm.s32 $0x0;
	s19 =	simm.s32 $0x0;
	s2 =	sand.u32 $0x380, s1  }
0x6: {  	s10 =	simm.s32 $0x0;
	s11 =	simm.s32 $0x0;
	s4 =	ssub.s32 $0x1000, s2  }
0x7: {  	s12 =	simm.s32 $0x0;
	s13 =	simm.s32 $0x0;
	s31 =	sand.u32 $0x380, s4  }
0x8: {  	s16 =	simm.s32 $0x0;
	s7 =	sand.u32 $0x3, s0;
	p0 =	sne.s32 s31, $0x0  }
.Ltmp0:
0x9: {  	s4 =	sshrl.u32 s4, $0xA;
	s6 =	simm.s32 @!p0 $0x0;
	(pc) =	sbr.rel .LBB1_1-.Ltmp0, $4  }
0xa: {  	s1 =	rddreg [dreg:$0x2];
	_ =	strace $0x8000004D;
	s6 =	sadd.s32 s6, s4  }
0xb: {  	s4 =	sadd.s32 $0x1000, s5;
	s5 =	simm.s32 $0x1;
	s6 =	smul.u32 $0x9, s6  }
0xc: {  	s15 =	smov.u32 s7;
	s14 =	smov.u32 s2;
	[sflag:s5] =	ssyncpa.u1 $0x0  }
0xd: {  	p0 =	por $0x0, $0x0;
	[sflag:s8] =	ssyncpa.u1 $0x0;
	s8 =	sadd.s32 $0x1, s6  }
.LBB1_4:
0xe: {  	s24 =	sshra.s32 s24, $0x2  }
0xf: {  	s25 =	sshll.u32 s12, $0x7;
	s30 =	sand.u32 $0x78, s11;
	p2 =	sgt.s32 s12, $0x3  }
0x10: {  	s26 =	sshra.s32 s12, $0x1F;
	p1 =	sgt.s32 s10, $0x381;
	s27 =	sshra.s32 s11, $0x1F  }
0x11: {  	s31 =	sshra.s32 s10, $0x1F;
	s23 =	sadd.s32 s24, s23;
	s25 =	sand.u32 $0x180, s25  }
0x12: {  	s26 =	sand.u32 s26, s12;
	s24 =	sor.u32 s25, s30;
	s25 =	smov.u32 s12  }
0x13: {  	v5 =	vld [tilespmem:s21+$0xFFFFFFD0];
	s27 =	sand.u32 s27, s11;
	s30 =	sshll.u32 s11, $0x2;
	s25 =	simm.s32 @!p2 $0x3  }
0x14: {  	[tilespmem:s22+$0x2040 ss:$0x81] =	vst.msk $0xffff, v4;
	v58 =	vld [tilespmem:s21+$0xFFFFFFE0];
	p2 =	sgt.s32 s11, $0xF80;
	s25 =	ssub.s32 s25, s26;
	s26 =	smov.u32 s11  }
0x15: {  	[tilespmem:s22+$0x2850 ss:$0x81] =	vst.msk $0xffff, v3;
	v59 =	vld [tilespmem:s21+$0xFFFFFFF0];
	s28 =	sadd.s32 $0xFFFFFFFD, s25;
	s26 =	simm.s32 @!p2 $0xF80;
	s25 =	ssub.s32 $0x4, s25  }
0x16: {  	[tilespmem:s22+$0x3060 ss:$0x81] =	vst.msk $0xffff, v2;
	v60 =	vld [tilespmem:s21+$0x0];
	p2 =	sgt.s32 s28, $0x0;
	s28 =	smov.u32 s10;
	s26 =	ssub.s32 s26, s27  }
0x17: {  	[tilespmem:s22+$0x0 ss:$0x81] =	vst.msk $0xffff, v1;
	v61 =	vld [tilespmem:s21+$0x10];
	s27 =	sand.u32 s31, s10;
	s31 =	sand.u32 $0xE00, s30;
	s28 =	simm.s32 @!p1 $0x381  }
0x18: {  	v62 =	vld [tilespmem:s21+$0x20];
	[tilespmem:s23+$0x3870 ss:$0x81] =	vst.msk $0xffff, v0;
	s25 =	simm.s32 @p2 $0x0;
	s22 =	ssub.s32 s28, s27;
	s28 =	sadd.s32 $0xFFFFF080, s26  }
0x19: {  	v63 =	vld [tilespmem:s21+$0xFFFFFFC0];
	[tilespmem:s23+$0x810 ss:$0x81] =	vst.msk $0xffff, v5;
	s21 =	sor.u32 s31, s24;
	s26 =	ssub.s32 $0x1000, s26;
	p1 =	sgt.s32 s28, $0x7F  }
0x1a: {  	[tilespmem:s23+$0x1020 ss:$0x81] =	vst.msk $0xffff, v58;
	s27 =	sshll.u32 s10, $0xB;
	s29 =	sadd.s32 $0xFFFFFC7F, s22;
	s26 =	simm.s32 @p1 $0x0  }
0x1b: {  	[tilespmem:s23+$0x1830 ss:$0x81] =	vst.msk $0xffff, v59;
	s22 =	ssub.s32 $0x401, s22;
	p1 =	sgt.s32 s29, $0x7F;
	s25 =	smul.u32 s25, s26  }
0x1c: {  	[tilespmem:s23+$0x2040 ss:$0x81] =	vst.msk $0xffff, v60;
	s28 =	sshrl.u32 s11, $0x1;
	s24 =	sadd.s32 s3, s27;
	s22 =	simm.s32 @p1 $0x0  }
0x1d: {  	[tilespmem:s23+$0x2850 ss:$0x81] =	vst.msk $0xffff, v61;
	s29 =	sand.u32 $0x7, s11;
	s22 =	smul.u32 s22, s25;
	s25 =	sand.u32 $0x600, s28  }
0x1e: {  	[tilespmem:s23+$0x3060 ss:$0x81] =	vst.msk $0xffff, v62;
	s21 =	sshrl.u32 s21, $0x3;
	s30 =	sshll.u32 s29, $0x12;
	s24 =	sadd.s32 s25, s24  }
0x1f: {  	[tilespmem:s23+$0x0 ss:$0x81] =	vst.msk $0xffff, v63;
	s31 =	sor.u32 $0x80, s30;
	s22 =	sand.u32 $0x3FFFFFFF, s22;
	s21 =	sadd.s32 s21, s24  }
0x20: {  	[hbm4b:s21+s31] =	stream.strided.scatter [tilespmem:s20], [sflag:$0x2], s22, s9, s31, $0x20;
	[tilespmem:$0x10100] =	vst v63  }
.LBB1_5:
0x21: {  	p1 =	slt.u32 s16, $0x2;
	s21 =	smov.u32 s19  }
0x22: {  	p2 =	sgt.s32 @!p1 s18, $0x381;
	s20 =	sshra.s32 @!p1 s18, $0x1F;
	p3 =	sgt.s32 @!p1 s19, $0x3  }
0x23: {  	s22 =	sshra.s32 @!p1 s19, $0x1F;
	p2 =	por !p2, p1;
	s20 =	sand.u32 @!p1 s20, s18  }
0x24: {  	p3 =	por !p3, p1;
	s19 =	sand.u32 @!p1 s22, s19;
	s22 =	sshra.s32 @!p1 s17, $0x1F  }
0x25: {  	s21 =	simm.s32 @p3 $0x3;
	p3 =	sgt.s32 @!p1 s17, $0xF80;
	s18 =	simm.s32 @p2 $0x381  }
0x26: {  	s19 =	ssub.s32 @!p1 s21, s19;
	p3 =	por !p3, p1;
	s21 =	smov.u32 s17  }
0x27: {  	s17 =	sand.u32 @!p1 s22, s17;
	s18 =	ssub.s32 @!p1 s18, s20;
	s21 =	simm.s32 @p3 $0xF80  }
0x28: {  	s20 =	sadd.s32 @!p1 $0xFFFFFFFD, s19;
	s19 =	ssub.s32 @!p1 $0x4, s19;
	s17 =	ssub.s32 @!p1 s21, s17  }
0x29: {  	s21 =	sadd.s32 @!p1 $0xFFFFFC7F, s18;
	p2 =	sgt.s32 @!p1 s20, $0x0;
	s20 =	sadd.s32 @!p1 $0xFFFFF080, s17  }
0x2a: {  	s18 =	ssub.s32 @!p1 $0x401, s18;
	p2 =	por !p2, p1;
	p3 =	sgt.s32 @!p1 s20, $0x7F  }
0x2b: {  	s17 =	ssub.s32 @!p1 $0x1000, s17;
	s19 =	simm.s32 @!p2 $0x0;
	p2 =	por !p3, p1  }
0x2c: {  	s20 =	sadd.s32 $0x80, s13;
	p3 =	sgt.s32 @!p1 s21, $0x7F;
	s17 =	simm.s32 @!p2 $0x0  }
0x2d: {  	s21 =	smov.u32 s14;
	p2 =	por !p3, p1;
	s17 =	smul.u32 @!p1 s19, s17  }
0x2e: {  	s18 =	simm.s32 @!p2 $0x0;
	p2 =	sgt.s32 s20, $0x400;
	s19 =	sadd.s32 $0x400, s14  }
0x2f: {  	s22 =	smov.u32 s15;
	s21 =	smov.u32 @p2 s19  }
0x30: {  	s17 =	smul.u32 @!p1 s18, s17;
	p3 =	sgt.s32 s21, $0xFFF;
	s18 =	sadd.s32 $0x4, s15  }
0x31: {  	p0 =	por !p0, !p0;
	s23 =	simm.s32 @!p1 $0x2;
	s22 =	smov.u32 @p3 s18  }
0x32: {  	s20 =	simm.s32 @p2 $0x0;
	s19 =	smov.u32 s12;
	p2 =	sgt.s32 s22, $0x3  }
0x33: {  	s12 =	smov.u32 s15;
	s22 =	smov.u32 @p2 s7;
	p2 =	sne.s32 s16, s8  }
.Ltmp1:
0x34: {  	s21 =	smov.u32 @p3 s2;
	s18 =	smov.u32 s10;
	(pc) =	sbr.rel @!p2 .LBB1_6-.Ltmp1, $4  }
0x35: {  	s10 =	smov.u32 s13;
	s13 =	smov.u32 s20;
	s17 =	sand.u32 @!p1 $0x3FFFFFFF, s17  }
0x36: {  	_ =	swait.ge @!p1 [sflag:s23], s17;
	s24 =	ssub.s32 @!p1 $0x0, s17;
	s17 =	smov.u32 s11  }
0x37: {  	s16 =	sadd.s32 $0x1, s16;
	s11 =	smov.u32 s14;
	[sflag:s23] =	ssyncset.done @!p1 $0x0  }
0x38: {  	s14 =	smov.u32 s21;
	s15 =	smov.u32 s22;
	[sflag:s23] =	ssyncadd.s32 @!p1 s24  }
.LBB1_1:
0x39: {  	p1 =	sge.u32 s16, s6  }
0x3a: {  	s20 =	sshrl.u32 @!p1 s14, $0x3  }
0x3b: {  	s21 =	sshll.u32 @!p1 s13, $0x3;
	s20 =	smul.u32 @!p1 $0x2400, s20  }
0x3c: {  	s22 =	sshll.u32 @!p1 s14, $0x7;
	s21 =	sand.u32 @!p1 $0xFFFFFC00, s21  }
0x3d: {  	s20 =	sadd.s32 @!p1 s20, s21;
	s21 =	sand.u32 @!p1 $0x380, s22  }
0x3e: {  	s22 =	sand.u32 @!p1 $0x7F, s13;
	s20 =	sor.u32 @!p1 s21, s20  }
0x3f: {  	s21 =	sor.u32 @!p1 s22, s20  }
0x40: {  	s22 =	smulhi.u32 @!p1 $0x38E38E39, s21  }
0x41: {  	s20 =	smulhi.u32 @!p1 $0x38E38E39, s20  }
0x42: {  	s22 =	sshrl.u32 @!p1 s22, $0x8  }
0x43: {  	s31 =	sadd.s32 $0xFFFFFFFF, s16;
	s20 =	sshrl.u32 @!p1 s20, $0x8;
	s22 =	smul.u32 @!p1 $0x480, s22  }
0x44: {  	s23 =	sxor.u32 @!p1 $0xFFFFFFFF, s16;
	s24 =	smul.u32 @!p1 $0x90000, s15;
	s20 =	sand.u32 @!p1 $0xFFF, s20  }
0x45: {  	s23 =	sshll.u32 @!p1 s23, $0xE;
	s20 =	smul.u32 @!p1 $0x90, s20;
	s21 =	ssub.s32 @!p1 s21, s22  }
0x46: {  	s22 =	sand.u32 @!p1 $0x4000, s23;
	s23 =	sadd.s32 @!p1 s4, s24;
	s24 =	sand.u32 @!p1 $0x7, s21  }
0x47: {  	s21 =	sshrl.u32 @!p1 s21, $0x3;
	s20 =	sadd.s32 @!p1 s20, s23;
	s23 =	sshll.u32 @!p1 s24, $0x12  }
0x48: {  	s20 =	sadd.s32 @!p1 s21, s20;
	s21 =	sor.u32 @!p1 $0x400, s23;
	s23 =	simm.s32 @!p1 $0x2400  }
0x49: {  	[tilespmem:s22], [sflag:$0x1] =	stream.strided.gather @!p1 [hbm4b:s20+s21], $0x4000, s23, s21, $0x38;
	[tilespmem:$0x10100] =	vst v63  }
0x4a: {  	p1 =	sge.u32 s31, s6  }
.Ltmp2:
0x4b: {  	_ = 	snop;
	(pc) =	sbr.rel @p1 .LBB1_5-.Ltmp2, $1  }
0x4c: {  	_ =	sdelay $0x3  }
0x4d: {  	s20 =	simm.s32 $0x1  }
0x4e: {  	_ =	swait.ge [sflag:s5], $0x4000;
	s20 =	simm.s32 @!p0 $0x0  }
0x4f: {  	[sflag:s5] =	ssyncset.done $0x0;
	s21 =	sshll.u32 s20, $0xE  }
0x50: {  	[sflag:s5] =	ssyncadd.s32 $0xFFFFC000;
	s21 =	sor.u32 $0x40, s21  }
0x51: {  	s20 =	smul.u32 $0x10200, s20;
	v0 =	vld [tilespmem:s21+$0x30]  }
0x52: {  	v1 =	vld [tilespmem:s21+$0xFFFFFFD0]  }
0x53: {  	s20 =	sshrl.u32 s20, $0x2;
	v5 =	vld [tilespmem:s21+$0xFFFFFFE0]  }
0x54: {  	v6 =	vld [tilespmem:s21+$0xFFFFFFF0];
	s23 =	sor.u32 $0x8000, s20  }
0x55: {  	s31 =	sand.u32 $0x1, s16;
	v4 =	vld [tilespmem:s21+$0x0];
	s22 =	sadd.s32 $0x0, s23  }
0x56: {  	v3 =	vld [tilespmem:s21+$0x10];
	s20 =	smul.u32 $0x10200, s31;
	[tilespmem:s22+$0x3870 ss:$0x81] =	vst.msk $0xffff, v0  }
0x57: {  	v2 =	vld [tilespmem:s21+$0x20];
	[tilespmem:s22+$0x810 ss:$0x81] =	vst.msk $0xffff, v1  }
0x58: {  	s20 =	sshrl.u32 s20, $0x2;
	v1 =	vld [tilespmem:s21+$0xFFFFFFC0];
	[tilespmem:s22+$0x1020 ss:$0x81] =	vst.msk $0xffff, v5;
	s21 =	sadd.s32 $0x80, s21  }
0x59: {  	s24 =	simm.s32 $0x4;
	s25 =	simm.s32 $0x8;
	s20 =	sor.u32 $0x8000, s20;
	[tilespmem:s22+$0x1830 ss:$0x81] =	vst.msk $0xffff, v6;
	v0 =	vld [tilespmem:s21+$0x30]  }
.LBB1_3:
0x5a: {  	p1 =	sne.s32 s25, $0x1FC;
	v5 =	vld [tilespmem:s21+$0xFFFFFFD0];
	[tilespmem:s22+$0x2040 ss:$0x81] =	vst.msk $0xffff, v4  }
0x5b: {  	v6 =	vld [tilespmem:s21+$0xFFFFFFE0];
	[tilespmem:s22+$0x2850 ss:$0x81] =	vst.msk $0xffff, v3  }
0x5c: {  	s26 =	sshra.s32 s24, $0x2;
	s24 =	smov.u32 s25;
	v7 =	vld [tilespmem:s21+$0xFFFFFFF0];
	[tilespmem:s22+$0x3060 ss:$0x81] =	vst.msk $0xffff, v2  }
.Ltmp3:
0x5d: {  	v4 =	vld [tilespmem:s21+$0x0];
	[tilespmem:s22+$0x0 ss:$0x81] =	vst.msk $0xffff, v1;
	s22 =	sadd.s32 s26, s23;
	(pc) =	sbr.rel @p1 .LBB1_3-.Ltmp3, $4  }
0x5e: {  	v3 =	vld [tilespmem:s21+$0x10];
	[tilespmem:s22+$0x3870 ss:$0x81] =	vst.msk $0xffff, v0  }
0x5f: {  	[tilespmem:s22+$0x810 ss:$0x81] =	vst.msk $0xffff, v5;
	v2 =	vld [tilespmem:s21+$0x20]  }
0x60: {  	v1 =	vld [tilespmem:s21+$0xFFFFFFC0];
	[tilespmem:s22+$0x1020 ss:$0x81] =	vst.msk $0xffff, v6;
	s21 =	sadd.s32 $0x80, s21  }
0x61: {  	s25 =	sadd.s32 $0x4, s25;
	v0 =	vld [tilespmem:s21+$0x30];
	[tilespmem:s22+$0x1830 ss:$0x81] =	vst.msk $0xffff, v7  }
.Ltmp4:
0x62: {  	_ = 	snop;
	(pc) =	sbr.rel .LBB1_4-.Ltmp4, $1  }
0x63: {  	_ =	sdelay $0x3  }
.LBB1_6:
0x64: {  	_ =	sfence.sel $0x180000  }
0x65: {  	s2 =	simm.s32 $0x1;
	[bflag:$0x0] =	sbarrier.arrive $0xFFFF  }
0x66: {  	s31 =	simm.s32 $0x2;
	[sflag:s2] =	ssyncpa.u1 $0x1  }
0x67: {  	[sflag:s31] =	ssyncpa.u1 $0x1  }
0x68: {  	p0 =	sne.s32 s0, $0x0;
	_ =	strace $0x9000004D  }
0x69: {  	s0 =	sadd.s32 @!p0 $0x100000, s1;
	[bflag:$0x2] =	sbarrier.arrive $0xFFFF  }
0x6a: {  	[sflag:s0] =	ssyncadd.tile.s32 @!p0 $0x1;
	_ =	shalt  }
.Lfunc_end1:
_tile_overlayer_lowered:
.L_overlay_start_2:
0x6b: {  	(tag) =	ssettag $0x2  }
0x6c: {  	s0 =	rddreg [dreg:$0x0];
	s2 =	stileid.u32  }
0x6d: {  	s1 =	rddreg [dreg:$0x1];
	p0 =	sne.s32 s2, $0x0  }
0x6e: {  	s3 =	rddreg [dreg:$0x2];
	[bflag:$0x3] =	sbarrier.arrive $0xFFFF;
	s2 =	simm.s32 @!p0 $0x1C01  }
0x6f: {  	[timem:s3], [sflag:s2] =	dma.local @!p0 [hbm:s0], s1  }
0x70: {  	s0 =	simm.s32 @!p0 $0x1  }
0x71: {  	_ =	swait.ge @!p0 [sflag:s0], s1  }
0x72: {  	s1 =	ssub.s32 @!p0 $0x0, s1;
	[sflag:s0] =	ssyncset.done @!p0 $0x0  }
0x73: {  	[sflag:s0] =	ssyncadd.s32 @!p0 s1  }
0x74: {  	[bflag:$0x3] =	sbarrier.arrive $0xFFFF  }
0x75: {  	_ =	shalt  }

</sc_bundles>
